<compile_context>
chip_gen: v7x
topology: tpu7x:2x2x1
jax: 0.10.2.dev20260603
libtpu: 0.0.44.dev20260713+nightly
codegen_flags: <defaults>
</compile_context>

<pallas_src>
import functools

import jax
import jax.numpy as jnp
from jax import lax
from jax.experimental import pallas as pl
from jax.experimental.pallas import tpu as pltpu
from jax.experimental.pallas import tpu_sc as plsc

N_NODES = 10000
D = 128
H = 256
E_EDGES = 320000
NEXP = 4

E_A = 64000
E_B = E_EDGES - E_A
CHUNK_A = 40
CHUNK_B = 80

NW = 32
KBUF = 5

BE = 4000
WCOL = 640


def _sc_gather(z, idx3, chunk):
    nchunk = idx3.shape[1]
    rpw = nchunk * chunk
    rows_total = NW * rpw
    mesh = plsc.VectorSubcoreMesh(core_axis_name="c", subcore_axis_name="s")

    @functools.partial(
        pl.kernel,
        mesh=mesh,
        out_type=jax.ShapeDtypeStruct((rows_total, D), jnp.float32),
        scratch_types=(
            [pltpu.VMEM((nchunk, chunk), jnp.int32)]
            + [pltpu.VMEM((chunk, D), jnp.float32) for _ in range(KBUF)]
            + [pltpu.SemaphoreType.DMA for _ in range(2 * KBUF)]
        ),
    )
    def gather_kernel(z_hbm, idx_hbm, out_hbm, idx_v, *rest):
        rows = rest[:KBUF]
        gsem = rest[KBUF:2 * KBUF]
        osem = rest[2 * KBUF:]
        wid = lax.axis_index("s") * 2 + lax.axis_index("c")
        base = wid * rpw
        pltpu.sync_copy(idx_hbm.at[wid], idx_v)

        def outer(j, _):
            c0 = j * KBUF
            handles = []
            for s in range(KBUF):
                @pl.when(j > 0)
                def _wait_out(s=s):
                    pltpu.make_async_copy(
                        rows[s], out_hbm.at[pl.ds(0, chunk)], osem[s]
                    ).wait()
                handles.append(
                    pltpu.async_copy(z_hbm.at[idx_v.at[c0 + s]], rows[s], gsem[s])
                )
            for s in range(KBUF):
                handles[s].wait()
                pltpu.async_copy(
                    rows[s],
                    out_hbm.at[pl.ds(base + (c0 + s) * chunk, chunk)],
                    osem[s],
                )
            return ()

        lax.fori_loop(0, nchunk // KBUF, outer, (), unroll=False)
        for s in range(KBUF):
            pltpu.make_async_copy(
                rows[s], out_hbm.at[pl.ds(0, chunk)], osem[s]
            ).wait()

    return gather_kernel(z, idx3)


def _tc_body(nb, zu_ref, zv_ref, w1_ref, b1_ref, gb_ref, w2_ref, b2_ref,
             accin_ref, out_ref, acc_ref, aux_ref):
    i = pl.program_id(0)
    f32 = jnp.float32
    zu = zu_ref[...]
    zv = zv_ref[...]
    dd = jnp.abs(zu - zv)
    mm = zu * zv
    Tu = jnp.dot(zu, w1_ref[0], preferred_element_type=f32)
    Tv = jnp.dot(zv, w1_ref[1], preferred_element_type=f32)
    Td = jnp.dot(dd, w1_ref[2], preferred_element_type=f32)
    Tm = jnp.dot(mm, w1_ref[3], preferred_element_type=f32)
    b1 = b1_ref[...]
    h1 = jnp.maximum(Tu[:, 0:H] + Tv[:, 0:H] + b1[0], 0.0)
    h2 = jnp.maximum(Td[:, 0:H] + b1[1], 0.0)
    h3 = jnp.maximum(Tm[:, 0:H] + b1[2], 0.0)
    h4 = jnp.maximum(
        (Tu[:, H:2 * H] + Tv[:, H:2 * H]) + (Td[:, H:2 * H] + Tm[:, H:2 * H])
        + b1[3], 0.0)
    gl = ((Tu[:, 2 * H:] + Tv[:, 2 * H:]) + (Td[:, 2 * H:] + Tm[:, 2 * H:])
          + gb_ref[...])
    gmax = jnp.max(gl, axis=1, keepdims=True)
    ge = jnp.exp(gl - gmax)
    gsum = jnp.sum(ge, axis=1, keepdims=True)
    pmax = 1.0 / gsum
    b2 = b2_ref[...]
    s1 = jnp.dot(h1, w2_ref[0], preferred_element_type=f32)[:, 0:1] + b2[0:1]
    s2 = jnp.dot(h2, w2_ref[1], preferred_element_type=f32)[:, 0:1] + b2[1:2]
    s3 = jnp.dot(h3, w2_ref[2], preferred_element_type=f32)[:, 0:1] + b2[2:3]
    s4 = jnp.dot(h4, w2_ref[3], preferred_element_type=f32)[:, 0:1] + b2[3:4]
    c0 = gl[:, 0:1] >= gmax
    c1 = gl[:, 1:2] >= gmax
    c2 = gl[:, 2:3] >= gmax
    sel = jnp.where(c0, s1, jnp.where(c1, s2, jnp.where(c2, s3, s4)))
    out_ref[...] = pmax * sel

    @pl.when(i == 0)
    def _init():
        acc_ref[...] = accin_ref[...]

    acc_ref[...] += jnp.sum(ge * pmax, axis=0, keepdims=True)

    @pl.when(i == nb - 1)
    def _finish():
        avg = acc_ref[...] / float(E_EDGES)
        aux_ref[...] = (jnp.sum(avg * avg) * float(NEXP)).reshape(1, 1)


def _tc_moe(gathered, accin, W1p, b1p, gbp, W2p, b2p, ne):
    nb = ne // BE
    full = lambda shape: pl.BlockSpec(shape, lambda i: tuple(0 for _ in shape))
    return pl.pallas_call(
        functools.partial(_tc_body, nb),
        grid=(nb,),
        in_specs=[
            pl.BlockSpec((BE, D), lambda i: (i, 0)),
            pl.BlockSpec((BE, D), lambda i: (i + nb, 0)),
            full((NEXP, D, WCOL)),
            full((NEXP, H)),
            full((1, 128)),
            full((NEXP, H, 128)),
            full((NEXP, 1)),
            full((1, 128)),
        ],
        out_specs=[
            pl.BlockSpec((BE, 1), lambda i: (i, 0)),
            pl.BlockSpec((1, 128), lambda i: (0, 0)),
            pl.BlockSpec((1, 1), lambda i: (0, 0)),
        ],
        out_shape=[
            jax.ShapeDtypeStruct((ne, 1), jnp.float32),
            jax.ShapeDtypeStruct((1, 128), jnp.float32),
            jax.ShapeDtypeStruct((1, 1), jnp.float32),
        ],
    )(gathered, gathered, W1p, b1p, gbp, W2p, b2p, accin)


def kernel(g, z, uv, gate_W, gate_b, ec_W1, ec_b1, ec_W2, ec_b2,
           ed_W1, ed_b1, ed_W2, ed_b2, em_W1, em_b1, em_W2, em_b2,
           ea_W1, ea_b1, ea_W2, ea_b2):
    g1 = _sc_gather(z, uv[:, :E_A].reshape(NW, -1, CHUNK_A), CHUNK_A)
    g2 = _sc_gather(z, uv[:, E_A:].reshape(NW, -1, CHUNK_B), CHUNK_B)

    gz = jnp.zeros((D, 128 - NEXP), jnp.float32)
    gcol = lambda c: jnp.concatenate([gate_W[c * D:(c + 1) * D], gz], axis=1)
    W1p = jnp.stack([
        jnp.concatenate([ec_W1[:D], ea_W1[:D], gcol(0)], axis=1),
        jnp.concatenate([ec_W1[D:], ea_W1[D:2 * D], gcol(1)], axis=1),
        jnp.concatenate([ed_W1, ea_W1[2 * D:3 * D], gcol(2)], axis=1),
        jnp.concatenate([em_W1, ea_W1[3 * D:], gcol(3)], axis=1),
    ])
    b1p = jnp.stack([ec_b1, ed_b1, em_b1, ea_b1])
    gbp = jnp.concatenate(
        [gate_b, jnp.full((128 - NEXP,), -1e30, jnp.float32)])[None, :]
    W2p = jnp.pad(jnp.stack([ec_W2, ed_W2, em_W2, ea_W2]),
                  ((0, 0), (0, 0), (0, 127)))
    b2p = jnp.stack([ec_b2, ed_b2, em_b2, ea_b2])

    acc0 = jnp.zeros((1, 128), jnp.float32)
    out1, acc1, _ = _tc_moe(g1, acc0, W1p, b1p, gbp, W2p, b2p, E_A)
    out2, _, aux = _tc_moe(g2, acc1, W1p, b1p, gbp, W2p, b2p, E_B)
    return jnp.concatenate([out1, out2], axis=0), aux[0, 0]

# --- scband reference (transcript-rebuilt; emitter-appended) ---
"""Pipeline reference for scband-edge-mo-epredictor-85495618994896 (READ-ONLY COPY).

The authoritative reference and input builder live on the scoring server;
editing this copy changes nothing except your own understanding.
"""

import jax, jax.numpy as jnp
import numpy as np

N = 10000
D = 128
H = 256
OUT = 1
E = 320000
NE = 4


def _mlp(x, W1, b1, W2, b2):
    h = jnp.maximum(x @ W1 + b1, 0.0)
    return h @ W2 + b2


def setup_inputs(seed: int = 0) -> dict:
    key = jax.random.key(seed)
    ks = jax.random.split(key, 24)
    s = 0.02
    inp = {}
    inp['g'] = 0  # unused placeholder for the DGLGraph arg (uv is provided)
    inp['z'] = jax.random.normal(ks[0], (N, D), jnp.float32)
    inp['uv'] = jax.random.randint(ks[1], (2, E), 0, N, dtype=jnp.int32)
    inp['gate_W'] = jax.random.normal(ks[2], (4 * D, NE), jnp.float32) * s
    inp['gate_b'] = jnp.zeros((NE,), jnp.float32)
    inp['ec_W1'] = jax.random.normal(ks[3], (2 * D, H), jnp.float32) * s
    inp['ec_b1'] = jnp.zeros((H,), jnp.float32)
    inp['ec_W2'] = jax.random.normal(ks[4], (H, OUT), jnp.float32) * s
    inp['ec_b2'] = jnp.zeros((OUT,), jnp.float32)
    inp['ed_W1'] = jax.random.normal(ks[5], (D, H), jnp.float32) * s
    inp['ed_b1'] = jnp.zeros((H,), jnp.float32)
    inp['ed_W2'] = jax.random.normal(ks[6], (H, OUT), jnp.float32) * s
    inp['ed_b2'] = jnp.zeros((OUT,), jnp.float32)
    inp['em_W1'] = jax.random.normal(ks[7], (D, H), jnp.float32) * s
    inp['em_b1'] = jnp.zeros((H,), jnp.float32)
    inp['em_W2'] = jax.random.normal(ks[8], (H, OUT), jnp.float32) * s
    inp['em_b2'] = jnp.zeros((OUT,), jnp.float32)
    inp['ea_W1'] = jax.random.normal(ks[9], (4 * D, H), jnp.float32) * s
    inp['ea_b1'] = jnp.zeros((H,), jnp.float32)
    inp['ea_W2'] = jax.random.normal(ks[10], (H, OUT), jnp.float32) * s
    inp['ea_b2'] = jnp.zeros((OUT,), jnp.float32)
    return inp


def reference(g, z, uv, gate_W, gate_b, ec_W1, ec_b1, ec_W2, ec_b2,
              ed_W1, ed_b1, ed_W2, ed_b2, em_W1, em_b1, em_W2, em_b2,
              ea_W1, ea_b1, ea_W2, ea_b2):
    u = uv[0]
    v = uv[1]
    z_u = jnp.take(z, u, axis=0)
    z_v = jnp.take(z, v, axis=0)
    z_cat = jnp.concatenate([z_u, z_v], axis=-1)
    z_diff = jnp.abs(z_u - z_v)
    z_mul = z_u * z_v
    edge_feat = jnp.concatenate([z_cat, z_diff, z_mul], axis=-1)
    s1 = _mlp(z_cat, ec_W1, ec_b1, ec_W2, ec_b2)
    s2 = _mlp(z_diff, ed_W1, ed_b1, ed_W2, ed_b2)
    s3 = _mlp(z_mul, em_W1, em_b1, em_W2, em_b2)
    s4 = _mlp(edge_feat, ea_W1, ea_b1, ea_W2, ea_b2)
    scores = jnp.stack([s1, s2, s3, s4], axis=1)  # [E, 4, OUT]
    gate_logits = edge_feat @ gate_W + gate_b
    gate_probs = jax.nn.softmax(gate_logits, axis=-1)
    # top_k=1 straight-through gating
    topk_vals, topk_idx = jax.lax.top_k(gate_probs, 1)
    hard_gate = jnp.zeros_like(gate_probs).at[jnp.arange(gate_probs.shape[0])[:, None], topk_idx].set(topk_vals)
    gate_st = hard_gate + gate_probs - jax.lax.stop_gradient(gate_probs)
    out = (gate_st[..., None] * scores).sum(axis=1)  # dropout = identity (eval)
    avg_expert_usage = gate_probs.mean(axis=0)
    aux_loss = (avg_expert_usage ** 2).sum() * NE
    return (out, aux_loss)

if __name__ == "__main__":
    import jax
    _d = setup_inputs()
    print(jax.jit(kernel)(*tuple(_d.values())))

</pallas_src>

<mosaic_0001>
#map = affine_map<(d0, d1) -> (0, 0)>
#map1 = affine_map<(d0, d1) -> (0, 0, 0)>
module attributes {stable_mosaic.version = 14 : i64} {
  func.func @gather_kernel(%arg0: i32, %arg1: i32, %arg2: memref<10000x128xf32, #tpu.memory_space<hbm>>, %arg3: memref<32x100x40xi32, #tpu.memory_space<hbm>>, %arg4: memref<128000x128xf32, #tpu.memory_space<hbm>>, %arg5: memref<100x40xi32, #tpu.memory_space<vmem>>, %arg6: memref<40x128xf32, #tpu.memory_space<vmem>>, %arg7: memref<40x128xf32, #tpu.memory_space<vmem>>, %arg8: memref<40x128xf32, #tpu.memory_space<vmem>>, %arg9: memref<40x128xf32, #tpu.memory_space<vmem>>, %arg10: memref<40x128xf32, #tpu.memory_space<vmem>>, %arg11: memref<!tpu.dma_semaphore, #tpu.memory_space<semaphore_mem>>, %arg12: memref<!tpu.dma_semaphore, #tpu.memory_space<semaphore_mem>>, %arg13: memref<!tpu.dma_semaphore, #tpu.memory_space<semaphore_mem>>, %arg14: memref<!tpu.dma_semaphore, #tpu.memory_space<semaphore_mem>>, %arg15: memref<!tpu.dma_semaphore, #tpu.memory_space<semaphore_mem>>, %arg16: memref<!tpu.dma_semaphore, #tpu.memory_space<semaphore_mem>>, %arg17: memref<!tpu.dma_semaphore, #tpu.memory_space<semaphore_mem>>, %arg18: memref<!tpu.dma_semaphore, #tpu.memory_space<semaphore_mem>>, %arg19: memref<!tpu.dma_semaphore, #tpu.memory_space<semaphore_mem>>, %arg20: memref<!tpu.dma_semaphore, #tpu.memory_space<semaphore_mem>>) attributes {dimension_semantics = [#tpu.dimension_semantics<core_parallel>, #tpu.dimension_semantics<subcore_parallel>], iteration_bounds = array<i64: 2, 16>, scalar_prefetch = 0 : i64, scratch_operands = 16 : i64, tpu.core_type = #tpu.core_type<sc_vector_subcore>, window_params = [{transform_indices = #map}, {transform_indices = #map1}, {transform_indices = #map}]} {
    %mul3A = arith.constant 2 : i32
    %mul3A_0 = arith.muli %arg1, %mul3A : i32
    %add3A = arith.addi %mul3A_0, %arg0 : i32
    %mul3A_1 = arith.constant 4000 : i32
    %mul3A_2 = arith.muli %add3A, %mul3A_1 : i32
    "tpu.region"() ({
      %run_scoped3A = tpu.sem_alloc : memref<!tpu.dma_semaphore, #tpu.memory_space<semaphore_mem>>
      %dma_start3A = arith.constant 0 : i32
      %dma_start3A_36 = arith.constant 0 : i32
      %dma_start3A_37 = tpu.memref_slice %arg3[%add3A, %dma_start3A, %dma_start3A_36] : memref<32x100x40xi32, #tpu.memory_space<hbm>> -> memref<1x100x40xi32, #tpu.memory_space<hbm>>
      %dma_start3A_38 = tpu.memref_squeeze %dma_start3A_37 : memref<1x100x40xi32, #tpu.memory_space<hbm>> -> memref<100x40xi32, #tpu.memory_space<hbm>>
      %dma_start3A_39 = arith.constant 0 : i32
      %dma_start3A_40 = arith.constant 0 : i32
      %dma_start3A_41 = tpu.memref_slice %arg3[%add3A, %dma_start3A_39, %dma_start3A_40] : memref<32x100x40xi32, #tpu.memory_space<hbm>> -> memref<1x100x40xi32, #tpu.memory_space<hbm>>
      %dma_start3A_42 = tpu.memref_squeeze %dma_start3A_41 : memref<1x100x40xi32, #tpu.memory_space<hbm>> -> memref<100x40xi32, #tpu.memory_space<hbm>>
      tpu.enqueue_dma source(%dma_start3A_42 : memref<100x40xi32, #tpu.memory_space<hbm>>) target(%arg5 : memref<100x40xi32, #tpu.memory_space<vmem>>) target_semaphore(%run_scoped3A : memref<!tpu.dma_semaphore, #tpu.memory_space<semaphore_mem>>)
      %dma_wait3A_43 = arith.constant 0 : i32
      %dma_wait3A_44 = arith.constant 0 : i32
      %dma_wait3A_45 = tpu.memref_slice %arg3[%add3A, %dma_wait3A_43, %dma_wait3A_44] : memref<32x100x40xi32, #tpu.memory_space<hbm>> -> memref<1x100x40xi32, #tpu.memory_space<hbm>>
      %dma_wait3A_46 = tpu.memref_squeeze %dma_wait3A_45 : memref<1x100x40xi32, #tpu.memory_space<hbm>> -> memref<100x40xi32, #tpu.memory_space<hbm>>
      %dma_wait3A_47 = arith.constant 0 : i32
      %dma_wait3A_48 = arith.constant 0 : i32
      %dma_wait3A_49 = tpu.memref_slice %arg3[%add3A, %dma_wait3A_47, %dma_wait3A_48] : memref<32x100x40xi32, #tpu.memory_space<hbm>> -> memref<1x100x40xi32, #tpu.memory_space<hbm>>
      %dma_wait3A_50 = tpu.memref_squeeze %dma_wait3A_49 : memref<1x100x40xi32, #tpu.memory_space<hbm>> -> memref<100x40xi32, #tpu.memory_space<hbm>>
      tpu.wait_dma2 semaphore(%run_scoped3A : memref<!tpu.dma_semaphore, #tpu.memory_space<semaphore_mem>>) src(%dma_wait3A_50 : memref<100x40xi32, #tpu.memory_space<hbm>>) dst(%arg5 : memref<100x40xi32, #tpu.memory_space<vmem>>)
      tpu.yield
    }) : () -> ()
    %scan3A = arith.constant 0 : i32
    %scan3A_3 = arith.constant 20 : i32
    %scan3A_4 = arith.addi %scan3A, %scan3A_3 : i32
    %scan3A_5 = arith.constant 1 : i32
    scf.for %scan3A_36 = %scan3A to %scan3A_4 step %scan3A_5  : i32 {
      %mul3A_37 = arith.constant 5 : i32
      %mul3A_38 = arith.muli %scan3A_36, %mul3A_37 : i32
      %gt3A = arith.constant 0 : i32
      %gt3A_39 = arith.cmpi sgt, %scan3A_36, %gt3A : i32
      %convert_element_type3A = arith.extui %gt3A_39 : i1 to i32
      %cond3A = arith.constant 0 : i32
      %cond3A_40 = arith.cmpi ne, %convert_element_type3A, %cond3A : i32
      scf.if %cond3A_40 {
        %dma_wait3A_175 = arith.constant 0 : i32
        %dma_wait3A_176 = arith.constant 0 : i32
        %dma_wait3A_177 = tpu.memref_slice %arg4[%dma_wait3A_175, %dma_wait3A_176] : memref<128000x128xf32, #tpu.memory_space<hbm>> -> memref<40x128xf32, #tpu.memory_space<hbm>>
        %dma_wait3A_178 = arith.constant 0 : i32
        %dma_wait3A_179 = arith.constant 0 : i32
        %dma_wait3A_180 = tpu.memref_slice %arg4[%dma_wait3A_178, %dma_wait3A_179] : memref<128000x128xf32, #tpu.memory_space<hbm>> -> memref<40x128xf32, #tpu.memory_space<hbm>>
        tpu.wait_dma2 semaphore(%arg16 : memref<!tpu.dma_semaphore, #tpu.memory_space<semaphore_mem>>) src(%arg6 : memref<40x128xf32, #tpu.memory_space<vmem>>) dst(%dma_wait3A_180 : memref<40x128xf32, #tpu.memory_space<hbm>>)
      } else {
      }
      %add3A_41 = arith.constant 0 : i32
      %add3A_42 = arith.addi %mul3A_38, %add3A_41 : i32
      %dma_start3A = arith.constant 0 : i32
      %dma_start3A_43 = tpu.memref_slice %arg5[%add3A_42, %dma_start3A] : memref<100x40xi32, #tpu.memory_space<vmem>> -> memref<1x40xi32, #tpu.memory_space<vmem>>
      %dma_start3A_44 = tpu.memref_squeeze %dma_start3A_43 : memref<1x40xi32, #tpu.memory_space<vmem>> -> memref<40xi32, #tpu.memory_space<vmem>>
      %dma_start3A_45 = arith.constant 0 : i32
      %dma_start3A_46 = arith.constant 0 : i32
      %dma_start3A_47 = tpu.memref_slice %arg2[%dma_start3A_45, %dma_start3A_46] : memref<10000x128xf32, #tpu.memory_space<hbm>> -> memref<10000x128xf32, #tpu.memory_space<hbm>>
      tpu.enqueue_indirect_dma source(%dma_start3A_47 : memref<10000x128xf32, #tpu.memory_space<hbm>>) target(%arg6 : memref<40x128xf32, #tpu.memory_space<vmem>>) offsets(%dma_start3A_44 : memref<40xi32, #tpu.memory_space<vmem>>) semaphore(%arg11 : memref<!tpu.dma_semaphore, #tpu.memory_space<semaphore_mem>>)
      %gt3A_48 = arith.constant 0 : i32
      %gt3A_49 = arith.cmpi sgt, %scan3A_36, %gt3A_48 : i32
      %convert_element_type3A_50 = arith.extui %gt3A_49 : i1 to i32
      %cond3A_51 = arith.constant 0 : i32
      %cond3A_52 = arith.cmpi ne, %convert_element_type3A_50, %cond3A_51 : i32
      scf.if %cond3A_52 {
        %dma_wait3A_175 = arith.constant 0 : i32
        %dma_wait3A_176 = arith.constant 0 : i32
        %dma_wait3A_177 = tpu.memref_slice %arg4[%dma_wait3A_175, %dma_wait3A_176] : memref<128000x128xf32, #tpu.memory_space<hbm>> -> memref<40x128xf32, #tpu.memory_space<hbm>>
        %dma_wait3A_178 = arith.constant 0 : i32
        %dma_wait3A_179 = arith.constant 0 : i32
        %dma_wait3A_180 = tpu.memref_slice %arg4[%dma_wait3A_178, %dma_wait3A_179] : memref<128000x128xf32, #tpu.memory_space<hbm>> -> memref<40x128xf32, #tpu.memory_space<hbm>>
        tpu.wait_dma2 semaphore(%arg17 : memref<!tpu.dma_semaphore, #tpu.memory_space<semaphore_mem>>) src(%arg7 : memref<40x128xf32, #tpu.memory_space<vmem>>) dst(%dma_wait3A_180 : memref<40x128xf32, #tpu.memory_space<hbm>>)
      } else {
      }
      %add3A_53 = arith.constant 1 : i32
      %add3A_54 = arith.addi %mul3A_38, %add3A_53 : i32
      %dma_start3A_55 = arith.constant 0 : i32
      %dma_start3A_56 = tpu.memref_slice %arg5[%add3A_54, %dma_start3A_55] : memref<100x40xi32, #tpu.memory_space<vmem>> -> memref<1x40xi32, #tpu.memory_space<vmem>>
      %dma_start3A_57 = tpu.memref_squeeze %dma_start3A_56 : memref<1x40xi32, #tpu.memory_space<vmem>> -> memref<40xi32, #tpu.memory_space<vmem>>
      %dma_start3A_58 = arith.constant 0 : i32
      %dma_start3A_59 = arith.constant 0 : i32
      %dma_start3A_60 = tpu.memref_slice %arg2[%dma_start3A_58, %dma_start3A_59] : memref<10000x128xf32, #tpu.memory_space<hbm>> -> memref<10000x128xf32, #tpu.memory_space<hbm>>
      tpu.enqueue_indirect_dma source(%dma_start3A_60 : memref<10000x128xf32, #tpu.memory_space<hbm>>) target(%arg7 : memref<40x128xf32, #tpu.memory_space<vmem>>) offsets(%dma_start3A_57 : memref<40xi32, #tpu.memory_space<vmem>>) semaphore(%arg12 : memref<!tpu.dma_semaphore, #tpu.memory_space<semaphore_mem>>)
      %gt3A_61 = arith.constant 0 : i32
      %gt3A_62 = arith.cmpi sgt, %scan3A_36, %gt3A_61 : i32
      %convert_element_type3A_63 = arith.extui %gt3A_62 : i1 to i32
      %cond3A_64 = arith.constant 0 : i32
      %cond3A_65 = arith.cmpi ne, %convert_element_type3A_63, %cond3A_64 : i32
      scf.if %cond3A_65 {
        %dma_wait3A_175 = arith.constant 0 : i32
        %dma_wait3A_176 = arith.constant 0 : i32
        %dma_wait3A_177 = tpu.memref_slice %arg4[%dma_wait3A_175, %dma_wait3A_176] : memref<128000x128xf32, #tpu.memory_space<hbm>> -> memref<40x128xf32, #tpu.memory_space<hbm>>
        %dma_wait3A_178 = arith.constant 0 : i32
        %dma_wait3A_179 = arith.constant 0 : i32
        %dma_wait3A_180 = tpu.memref_slice %arg4[%dma_wait3A_178, %dma_wait3A_179] : memref<128000x128xf32, #tpu.memory_space<hbm>> -> memref<40x128xf32, #tpu.memory_space<hbm>>
        tpu.wait_dma2 semaphore(%arg18 : memref<!tpu.dma_semaphore, #tpu.memory_space<semaphore_mem>>) src(%arg8 : memref<40x128xf32, #tpu.memory_space<vmem>>) dst(%dma_wait3A_180 : memref<40x128xf32, #tpu.memory_space<hbm>>)
      } else {
      }
      %add3A_66 = arith.constant 2 : i32
      %add3A_67 = arith.addi %mul3A_38, %add3A_66 : i32
      %dma_start3A_68 = arith.constant 0 : i32
      %dma_start3A_69 = tpu.memref_slice %arg5[%add3A_67, %dma_start3A_68] : memref<100x40xi32, #tpu.memory_space<vmem>> -> memref<1x40xi32, #tpu.memory_space<vmem>>
      %dma_start3A_70 = tpu.memref_squeeze %dma_start3A_69 : memref<1x40xi32, #tpu.memory_space<vmem>> -> memref<40xi32, #tpu.memory_space<vmem>>
      %dma_start3A_71 = arith.constant 0 : i32
      %dma_start3A_72 = arith.constant 0 : i32
      %dma_start3A_73 = tpu.memref_slice %arg2[%dma_start3A_71, %dma_start3A_72] : memref<10000x128xf32, #tpu.memory_space<hbm>> -> memref<10000x128xf32, #tpu.memory_space<hbm>>
      tpu.enqueue_indirect_dma source(%dma_start3A_73 : memref<10000x128xf32, #tpu.memory_space<hbm>>) target(%arg8 : memref<40x128xf32, #tpu.memory_space<vmem>>) offsets(%dma_start3A_70 : memref<40xi32, #tpu.memory_space<vmem>>) semaphore(%arg13 : memref<!tpu.dma_semaphore, #tpu.memory_space<semaphore_mem>>)
      %gt3A_74 = arith.constant 0 : i32
      %gt3A_75 = arith.cmpi sgt, %scan3A_36, %gt3A_74 : i32
      %convert_element_type3A_76 = arith.extui %gt3A_75 : i1 to i32
      %cond3A_77 = arith.constant 0 : i32
      %cond3A_78 = arith.cmpi ne, %convert_element_type3A_76, %cond3A_77 : i32
      scf.if %cond3A_78 {
        %dma_wait3A_175 = arith.constant 0 : i32
        %dma_wait3A_176 = arith.constant 0 : i32
        %dma_wait3A_177 = tpu.memref_slice %arg4[%dma_wait3A_175, %dma_wait3A_176] : memref<128000x128xf32, #tpu.memory_space<hbm>> -> memref<40x128xf32, #tpu.memory_space<hbm>>
        %dma_wait3A_178 = arith.constant 0 : i32
        %dma_wait3A_179 = arith.constant 0 : i32
        %dma_wait3A_180 = tpu.memref_slice %arg4[%dma_wait3A_178, %dma_wait3A_179] : memref<128000x128xf32, #tpu.memory_space<hbm>> -> memref<40x128xf32, #tpu.memory_space<hbm>>
        tpu.wait_dma2 semaphore(%arg19 : memref<!tpu.dma_semaphore, #tpu.memory_space<semaphore_mem>>) src(%arg9 : memref<40x128xf32, #tpu.memory_space<vmem>>) dst(%dma_wait3A_180 : memref<40x128xf32, #tpu.memory_space<hbm>>)
      } else {
      }
      %add3A_79 = arith.constant 3 : i32
      %add3A_80 = arith.addi %mul3A_38, %add3A_79 : i32
      %dma_start3A_81 = arith.constant 0 : i32
      %dma_start3A_82 = tpu.memref_slice %arg5[%add3A_80, %dma_start3A_81] : memref<100x40xi32, #tpu.memory_space<vmem>> -> memref<1x40xi32, #tpu.memory_space<vmem>>
      %dma_start3A_83 = tpu.memref_squeeze %dma_start3A_82 : memref<1x40xi32, #tpu.memory_space<vmem>> -> memref<40xi32, #tpu.memory_space<vmem>>
      %dma_start3A_84 = arith.constant 0 : i32
      %dma_start3A_85 = arith.constant 0 : i32
      %dma_start3A_86 = tpu.memref_slice %arg2[%dma_start3A_84, %dma_start3A_85] : memref<10000x128xf32, #tpu.memory_space<hbm>> -> memref<10000x128xf32, #tpu.memory_space<hbm>>
      tpu.enqueue_indirect_dma source(%dma_start3A_86 : memref<10000x128xf32, #tpu.memory_space<hbm>>) target(%arg9 : memref<40x128xf32, #tpu.memory_space<vmem>>) offsets(%dma_start3A_83 : memref<40xi32, #tpu.memory_space<vmem>>) semaphore(%arg14 : memref<!tpu.dma_semaphore, #tpu.memory_space<semaphore_mem>>)
      %gt3A_87 = arith.constant 0 : i32
      %gt3A_88 = arith.cmpi sgt, %scan3A_36, %gt3A_87 : i32
      %convert_element_type3A_89 = arith.extui %gt3A_88 : i1 to i32
      %cond3A_90 = arith.constant 0 : i32
      %cond3A_91 = arith.cmpi ne, %convert_element_type3A_89, %cond3A_90 : i32
      scf.if %cond3A_91 {
        %dma_wait3A_175 = arith.constant 0 : i32
        %dma_wait3A_176 = arith.constant 0 : i32
        %dma_wait3A_177 = tpu.memref_slice %arg4[%dma_wait3A_175, %dma_wait3A_176] : memref<128000x128xf32, #tpu.memory_space<hbm>> -> memref<40x128xf32, #tpu.memory_space<hbm>>
        %dma_wait3A_178 = arith.constant 0 : i32
        %dma_wait3A_179 = arith.constant 0 : i32
        %dma_wait3A_180 = tpu.memref_slice %arg4[%dma_wait3A_178, %dma_wait3A_179] : memref<128000x128xf32, #tpu.memory_space<hbm>> -> memref<40x128xf32, #tpu.memory_space<hbm>>
        tpu.wait_dma2 semaphore(%arg20 : memref<!tpu.dma_semaphore, #tpu.memory_space<semaphore_mem>>) src(%arg10 : memref<40x128xf32, #tpu.memory_space<vmem>>) dst(%dma_wait3A_180 : memref<40x128xf32, #tpu.memory_space<hbm>>)
      } else {
      }
      %add3A_92 = arith.constant 4 : i32
      %add3A_93 = arith.addi %mul3A_38, %add3A_92 : i32
      %dma_start3A_94 = arith.constant 0 : i32
      %dma_start3A_95 = tpu.memref_slice %arg5[%add3A_93, %dma_start3A_94] : memref<100x40xi32, #tpu.memory_space<vmem>> -> memref<1x40xi32, #tpu.memory_space<vmem>>
      %dma_start3A_96 = tpu.memref_squeeze %dma_start3A_95 : memref<1x40xi32, #tpu.memory_space<vmem>> -> memref<40xi32, #tpu.memory_space<vmem>>
      %dma_start3A_97 = arith.constant 0 : i32
      %dma_start3A_98 = arith.constant 0 : i32
      %dma_start3A_99 = tpu.memref_slice %arg2[%dma_start3A_97, %dma_start3A_98] : memref<10000x128xf32, #tpu.memory_space<hbm>> -> memref<10000x128xf32, #tpu.memory_space<hbm>>
      tpu.enqueue_indirect_dma source(%dma_start3A_99 : memref<10000x128xf32, #tpu.memory_space<hbm>>) target(%arg10 : memref<40x128xf32, #tpu.memory_space<vmem>>) offsets(%dma_start3A_96 : memref<40xi32, #tpu.memory_space<vmem>>) semaphore(%arg15 : memref<!tpu.dma_semaphore, #tpu.memory_space<semaphore_mem>>)
      %dma_wait3A_100 = arith.constant 0 : i32
      %dma_wait3A_101 = tpu.memref_slice %arg5[%add3A_42, %dma_wait3A_100] : memref<100x40xi32, #tpu.memory_space<vmem>> -> memref<1x40xi32, #tpu.memory_space<vmem>>
      %dma_wait3A_102 = tpu.memref_squeeze %dma_wait3A_101 : memref<1x40xi32, #tpu.memory_space<vmem>> -> memref<40xi32, #tpu.memory_space<vmem>>
      %dma_wait3A_103 = arith.constant 0 : i32
      %dma_wait3A_104 = arith.constant 0 : i32
      %dma_wait3A_105 = tpu.memref_slice %arg2[%dma_wait3A_103, %dma_wait3A_104] : memref<10000x128xf32, #tpu.memory_space<hbm>> -> memref<10000x128xf32, #tpu.memory_space<hbm>>
      tpu.wait_indirect_dma semaphore(%arg11 : memref<!tpu.dma_semaphore, #tpu.memory_space<semaphore_mem>>) src(%dma_wait3A_105 : memref<10000x128xf32, #tpu.memory_space<hbm>>) dst(%arg6 : memref<40x128xf32, #tpu.memory_space<vmem>>)
      %add3A_106 = arith.constant 0 : i32
      %add3A_107 = arith.addi %mul3A_38, %add3A_106 : i32
      %mul3A_108 = arith.constant 40 : i32
      %mul3A_109 = arith.muli %add3A_107, %mul3A_108 : i32
      %add3A_110 = arith.addi %mul3A_2, %mul3A_109 : i32
      %dma_start3A_111 = arith.constant 0 : i32
      %dma_start3A_112 = tpu.memref_slice %arg4[%add3A_110, %dma_start3A_111] : memref<128000x128xf32, #tpu.memory_space<hbm>> -> memref<40x128xf32, #tpu.memory_space<hbm>>
      %dma_start3A_113 = arith.constant 0 : i32
      %dma_start3A_114 = tpu.memref_slice %arg4[%add3A_110, %dma_start3A_113] : memref<128000x128xf32, #tpu.memory_space<hbm>> -> memref<40x128xf32, #tpu.memory_space<hbm>>
      tpu.enqueue_dma source(%arg6 : memref<40x128xf32, #tpu.memory_space<vmem>>) target(%dma_start3A_114 : memref<40x128xf32, #tpu.memory_space<hbm>>) target_semaphore(%arg16 : memref<!tpu.dma_semaphore, #tpu.memory_space<semaphore_mem>>)
      %dma_wait3A_115 = arith.constant 0 : i32
      %dma_wait3A_116 = tpu.memref_slice %arg5[%add3A_54, %dma_wait3A_115] : memref<100x40xi32, #tpu.memory_space<vmem>> -> memref<1x40xi32, #tpu.memory_space<vmem>>
      %dma_wait3A_117 = tpu.memref_squeeze %dma_wait3A_116 : memref<1x40xi32, #tpu.memory_space<vmem>> -> memref<40xi32, #tpu.memory_space<vmem>>
      %dma_wait3A_118 = arith.constant 0 : i32
      %dma_wait3A_119 = arith.constant 0 : i32
      %dma_wait3A_120 = tpu.memref_slice %arg2[%dma_wait3A_118, %dma_wait3A_119] : memref<10000x128xf32, #tpu.memory_space<hbm>> -> memref<10000x128xf32, #tpu.memory_space<hbm>>
      tpu.wait_indirect_dma semaphore(%arg12 : memref<!tpu.dma_semaphore, #tpu.memory_space<semaphore_mem>>) src(%dma_wait3A_120 : memref<10000x128xf32, #tpu.memory_space<hbm>>) dst(%arg7 : memref<40x128xf32, #tpu.memory_space<vmem>>)
      %add3A_121 = arith.constant 1 : i32
      %add3A_122 = arith.addi %mul3A_38, %add3A_121 : i32
      %mul3A_123 = arith.constant 40 : i32
      %mul3A_124 = arith.muli %add3A_122, %mul3A_123 : i32
      %add3A_125 = arith.addi %mul3A_2, %mul3A_124 : i32
      %dma_start3A_126 = arith.constant 0 : i32
      %dma_start3A_127 = tpu.memref_slice %arg4[%add3A_125, %dma_start3A_126] : memref<128000x128xf32, #tpu.memory_space<hbm>> -> memref<40x128xf32, #tpu.memory_space<hbm>>
      %dma_start3A_128 = arith.constant 0 : i32
      %dma_start3A_129 = tpu.memref_slice %arg4[%add3A_125, %dma_start3A_128] : memref<128000x128xf32, #tpu.memory_space<hbm>> -> memref<40x128xf32, #tpu.memory_space<hbm>>
      tpu.enqueue_dma source(%arg7 : memref<40x128xf32, #tpu.memory_space<vmem>>) target(%dma_start3A_129 : memref<40x128xf32, #tpu.memory_space<hbm>>) target_semaphore(%arg17 : memref<!tpu.dma_semaphore, #tpu.memory_space<semaphore_mem>>)
      %dma_wait3A_130 = arith.constant 0 : i32
      %dma_wait3A_131 = tpu.memref_slice %arg5[%add3A_67, %dma_wait3A_130] : memref<100x40xi32, #tpu.memory_space<vmem>> -> memref<1x40xi32, #tpu.memory_space<vmem>>
      %dma_wait3A_132 = tpu.memref_squeeze %dma_wait3A_131 : memref<1x40xi32, #tpu.memory_space<vmem>> -> memref<40xi32, #tpu.memory_space<vmem>>
      %dma_wait3A_133 = arith.constant 0 : i32
      %dma_wait3A_134 = arith.constant 0 : i32
      %dma_wait3A_135 = tpu.memref_slice %arg2[%dma_wait3A_133, %dma_wait3A_134] : memref<10000x128xf32, #tpu.memory_space<hbm>> -> memref<10000x128xf32, #tpu.memory_space<hbm>>
      tpu.wait_indirect_dma semaphore(%arg13 : memref<!tpu.dma_semaphore, #tpu.memory_space<semaphore_mem>>) src(%dma_wait3A_135 : memref<10000x128xf32, #tpu.memory_space<hbm>>) dst(%arg8 : memref<40x128xf32, #tpu.memory_space<vmem>>)
      %add3A_136 = arith.constant 2 : i32
      %add3A_137 = arith.addi %mul3A_38, %add3A_136 : i32
      %mul3A_138 = arith.constant 40 : i32
      %mul3A_139 = arith.muli %add3A_137, %mul3A_138 : i32
      %add3A_140 = arith.addi %mul3A_2, %mul3A_139 : i32
      %dma_start3A_141 = arith.constant 0 : i32
      %dma_start3A_142 = tpu.memref_slice %arg4[%add3A_140, %dma_start3A_141] : memref<128000x128xf32, #tpu.memory_space<hbm>> -> memref<40x128xf32, #tpu.memory_space<hbm>>
      %dma_start3A_143 = arith.constant 0 : i32
      %dma_start3A_144 = tpu.memref_slice %arg4[%add3A_140, %dma_start3A_143] : memref<128000x128xf32, #tpu.memory_space<hbm>> -> memref<40x128xf32, #tpu.memory_space<hbm>>
      tpu.enqueue_dma source(%arg8 : memref<40x128xf32, #tpu.memory_space<vmem>>) target(%dma_start3A_144 : memref<40x128xf32, #tpu.memory_space<hbm>>) target_semaphore(%arg18 : memref<!tpu.dma_semaphore, #tpu.memory_space<semaphore_mem>>)
      %dma_wait3A_145 = arith.constant 0 : i32
      %dma_wait3A_146 = tpu.memref_slice %arg5[%add3A_80, %dma_wait3A_145] : memref<100x40xi32, #tpu.memory_space<vmem>> -> memref<1x40xi32, #tpu.memory_space<vmem>>
      %dma_wait3A_147 = tpu.memref_squeeze %dma_wait3A_146 : memref<1x40xi32, #tpu.memory_space<vmem>> -> memref<40xi32, #tpu.memory_space<vmem>>
      %dma_wait3A_148 = arith.constant 0 : i32
      %dma_wait3A_149 = arith.constant 0 : i32
      %dma_wait3A_150 = tpu.memref_slice %arg2[%dma_wait3A_148, %dma_wait3A_149] : memref<10000x128xf32, #tpu.memory_space<hbm>> -> memref<10000x128xf32, #tpu.memory_space<hbm>>
      tpu.wait_indirect_dma semaphore(%arg14 : memref<!tpu.dma_semaphore, #tpu.memory_space<semaphore_mem>>) src(%dma_wait3A_150 : memref<10000x128xf32, #tpu.memory_space<hbm>>) dst(%arg9 : memref<40x128xf32, #tpu.memory_space<vmem>>)
      %add3A_151 = arith.constant 3 : i32
      %add3A_152 = arith.addi %mul3A_38, %add3A_151 : i32
      %mul3A_153 = arith.constant 40 : i32
      %mul3A_154 = arith.muli %add3A_152, %mul3A_153 : i32
      %add3A_155 = arith.addi %mul3A_2, %mul3A_154 : i32
      %dma_start3A_156 = arith.constant 0 : i32
      %dma_start3A_157 = tpu.memref_slice %arg4[%add3A_155, %dma_start3A_156] : memref<128000x128xf32, #tpu.memory_space<hbm>> -> memref<40x128xf32, #tpu.memory_space<hbm>>
      %dma_start3A_158 = arith.constant 0 : i32
      %dma_start3A_159 = tpu.memref_slice %arg4[%add3A_155, %dma_start3A_158] : memref<128000x128xf32, #tpu.memory_space<hbm>> -> memref<40x128xf32, #tpu.memory_space<hbm>>
      tpu.enqueue_dma source(%arg9 : memref<40x128xf32, #tpu.memory_space<vmem>>) target(%dma_start3A_159 : memref<40x128xf32, #tpu.memory_space<hbm>>) target_semaphore(%arg19 : memref<!tpu.dma_semaphore, #tpu.memory_space<semaphore_mem>>)
      %dma_wait3A_160 = arith.constant 0 : i32
      %dma_wait3A_161 = tpu.memref_slice %arg5[%add3A_93, %dma_wait3A_160] : memref<100x40xi32, #tpu.memory_space<vmem>> -> memref<1x40xi32, #tpu.memory_space<vmem>>
      %dma_wait3A_162 = tpu.memref_squeeze %dma_wait3A_161 : memref<1x40xi32, #tpu.memory_space<vmem>> -> memref<40xi32, #tpu.memory_space<vmem>>
      %dma_wait3A_163 = arith.constant 0 : i32
      %dma_wait3A_164 = arith.constant 0 : i32
      %dma_wait3A_165 = tpu.memref_slice %arg2[%dma_wait3A_163, %dma_wait3A_164] : memref<10000x128xf32, #tpu.memory_space<hbm>> -> memref<10000x128xf32, #tpu.memory_space<hbm>>
      tpu.wait_indirect_dma semaphore(%arg15 : memref<!tpu.dma_semaphore, #tpu.memory_space<semaphore_mem>>) src(%dma_wait3A_165 : memref<10000x128xf32, #tpu.memory_space<hbm>>) dst(%arg10 : memref<40x128xf32, #tpu.memory_space<vmem>>)
      %add3A_166 = arith.constant 4 : i32
      %add3A_167 = arith.addi %mul3A_38, %add3A_166 : i32
      %mul3A_168 = arith.constant 40 : i32
      %mul3A_169 = arith.muli %add3A_167, %mul3A_168 : i32
      %add3A_170 = arith.addi %mul3A_2, %mul3A_169 : i32
      %dma_start3A_171 = arith.constant 0 : i32
      %dma_start3A_172 = tpu.memref_slice %arg4[%add3A_170, %dma_start3A_171] : memref<128000x128xf32, #tpu.memory_space<hbm>> -> memref<40x128xf32, #tpu.memory_space<hbm>>
      %dma_start3A_173 = arith.constant 0 : i32
      %dma_start3A_174 = tpu.memref_slice %arg4[%add3A_170, %dma_start3A_173] : memref<128000x128xf32, #tpu.memory_space<hbm>> -> memref<40x128xf32, #tpu.memory_space<hbm>>
      tpu.enqueue_dma source(%arg10 : memref<40x128xf32, #tpu.memory_space<vmem>>) target(%dma_start3A_174 : memref<40x128xf32, #tpu.memory_space<hbm>>) target_semaphore(%arg20 : memref<!tpu.dma_semaphore, #tpu.memory_space<semaphore_mem>>)
    }
    %scan3A_6 = arith.constant 20 : i32
    %dma_wait3A = arith.constant 0 : i32
    %dma_wait3A_7 = arith.constant 0 : i32
    %dma_wait3A_8 = tpu.memref_slice %arg4[%dma_wait3A, %dma_wait3A_7] : memref<128000x128xf32, #tpu.memory_space<hbm>> -> memref<40x128xf32, #tpu.memory_space<hbm>>
    %dma_wait3A_9 = arith.constant 0 : i32
    %dma_wait3A_10 = arith.constant 0 : i32
    %dma_wait3A_11 = tpu.memref_slice %arg4[%dma_wait3A_9, %dma_wait3A_10] : memref<128000x128xf32, #tpu.memory_space<hbm>> -> memref<40x128xf32, #tpu.memory_space<hbm>>
    tpu.wait_dma2 semaphore(%arg16 : memref<!tpu.dma_semaphore, #tpu.memory_space<semaphore_mem>>) src(%arg6 : memref<40x128xf32, #tpu.memory_space<vmem>>) dst(%dma_wait3A_11 : memref<40x128xf32, #tpu.memory_space<hbm>>)
    %dma_wait3A_12 = arith.constant 0 : i32
    %dma_wait3A_13 = arith.constant 0 : i32
    %dma_wait3A_14 = tpu.memref_slice %arg4[%dma_wait3A_12, %dma_wait3A_13] : memref<128000x128xf32, #tpu.memory_space<hbm>> -> memref<40x128xf32, #tpu.memory_space<hbm>>
    %dma_wait3A_15 = arith.constant 0 : i32
    %dma_wait3A_16 = arith.constant 0 : i32
    %dma_wait3A_17 = tpu.memref_slice %arg4[%dma_wait3A_15, %dma_wait3A_16] : memref<128000x128xf32, #tpu.memory_space<hbm>> -> memref<40x128xf32, #tpu.memory_space<hbm>>
    tpu.wait_dma2 semaphore(%arg17 : memref<!tpu.dma_semaphore, #tpu.memory_space<semaphore_mem>>) src(%arg7 : memref<40x128xf32, #tpu.memory_space<vmem>>) dst(%dma_wait3A_17 : memref<40x128xf32, #tpu.memory_space<hbm>>)
    %dma_wait3A_18 = arith.constant 0 : i32
    %dma_wait3A_19 = arith.constant 0 : i32
    %dma_wait3A_20 = tpu.memref_slice %arg4[%dma_wait3A_18, %dma_wait3A_19] : memref<128000x128xf32, #tpu.memory_space<hbm>> -> memref<40x128xf32, #tpu.memory_space<hbm>>
    %dma_wait3A_21 = arith.constant 0 : i32
    %dma_wait3A_22 = arith.constant 0 : i32
    %dma_wait3A_23 = tpu.memref_slice %arg4[%dma_wait3A_21, %dma_wait3A_22] : memref<128000x128xf32, #tpu.memory_space<hbm>> -> memref<40x128xf32, #tpu.memory_space<hbm>>
    tpu.wait_dma2 semaphore(%arg18 : memref<!tpu.dma_semaphore, #tpu.memory_space<semaphore_mem>>) src(%arg8 : memref<40x128xf32, #tpu.memory_space<vmem>>) dst(%dma_wait3A_23 : memref<40x128xf32, #tpu.memory_space<hbm>>)
    %dma_wait3A_24 = arith.constant 0 : i32
    %dma_wait3A_25 = arith.constant 0 : i32
    %dma_wait3A_26 = tpu.memref_slice %arg4[%dma_wait3A_24, %dma_wait3A_25] : memref<128000x128xf32, #tpu.memory_space<hbm>> -> memref<40x128xf32, #tpu.memory_space<hbm>>
    %dma_wait3A_27 = arith.constant 0 : i32
    %dma_wait3A_28 = arith.constant 0 : i32
    %dma_wait3A_29 = tpu.memref_slice %arg4[%dma_wait3A_27, %dma_wait3A_28] : memref<128000x128xf32, #tpu.memory_space<hbm>> -> memref<40x128xf32, #tpu.memory_space<hbm>>
    tpu.wait_dma2 semaphore(%arg19 : memref<!tpu.dma_semaphore, #tpu.memory_space<semaphore_mem>>) src(%arg9 : memref<40x128xf32, #tpu.memory_space<vmem>>) dst(%dma_wait3A_29 : memref<40x128xf32, #tpu.memory_space<hbm>>)
    %dma_wait3A_30 = arith.constant 0 : i32
    %dma_wait3A_31 = arith.constant 0 : i32
    %dma_wait3A_32 = tpu.memref_slice %arg4[%dma_wait3A_30, %dma_wait3A_31] : memref<128000x128xf32, #tpu.memory_space<hbm>> -> memref<40x128xf32, #tpu.memory_space<hbm>>
    %dma_wait3A_33 = arith.constant 0 : i32
    %dma_wait3A_34 = arith.constant 0 : i32
    %dma_wait3A_35 = tpu.memref_slice %arg4[%dma_wait3A_33, %dma_wait3A_34] : memref<128000x128xf32, #tpu.memory_space<hbm>> -> memref<40x128xf32, #tpu.memory_space<hbm>>
    tpu.wait_dma2 semaphore(%arg20 : memref<!tpu.dma_semaphore, #tpu.memory_space<semaphore_mem>>) src(%arg10 : memref<40x128xf32, #tpu.memory_space<vmem>>) dst(%dma_wait3A_35 : memref<40x128xf32, #tpu.memory_space<hbm>>)
    return
  }
}

#map = affine_map<(d0, d1) -> (0, 0)>
#map1 = affine_map<(d0, d1) -> (0, 0, 0)>
module attributes {stable_mosaic.version = 14 : i64} {
  func.func @gather_kernel(%arg0: i32, %arg1: i32, %arg2: memref<10000x128xf32, #tpu.memory_space<hbm>>, %arg3: memref<32x200x80xi32, #tpu.memory_space<hbm>>, %arg4: memref<512000x128xf32, #tpu.memory_space<hbm>>, %arg5: memref<200x80xi32, #tpu.memory_space<vmem>>, %arg6: memref<80x128xf32, #tpu.memory_space<vmem>>, %arg7: memref<80x128xf32, #tpu.memory_space<vmem>>, %arg8: memref<80x128xf32, #tpu.memory_space<vmem>>, %arg9: memref<80x128xf32, #tpu.memory_space<vmem>>, %arg10: memref<80x128xf32, #tpu.memory_space<vmem>>, %arg11: memref<!tpu.dma_semaphore, #tpu.memory_space<semaphore_mem>>, %arg12: memref<!tpu.dma_semaphore, #tpu.memory_space<semaphore_mem>>, %arg13: memref<!tpu.dma_semaphore, #tpu.memory_space<semaphore_mem>>, %arg14: memref<!tpu.dma_semaphore, #tpu.memory_space<semaphore_mem>>, %arg15: memref<!tpu.dma_semaphore, #tpu.memory_space<semaphore_mem>>, %arg16: memref<!tpu.dma_semaphore, #tpu.memory_space<semaphore_mem>>, %arg17: memref<!tpu.dma_semaphore, #tpu.memory_space<semaphore_mem>>, %arg18: memref<!tpu.dma_semaphore, #tpu.memory_space<semaphore_mem>>, %arg19: memref<!tpu.dma_semaphore, #tpu.memory_space<semaphore_mem>>, %arg20: memref<!tpu.dma_semaphore, #tpu.memory_space<semaphore_mem>>) attributes {dimension_semantics = [#tpu.dimension_semantics<core_parallel>, #tpu.dimension_semantics<subcore_parallel>], iteration_bounds = array<i64: 2, 16>, scalar_prefetch = 0 : i64, scratch_operands = 16 : i64, tpu.core_type = #tpu.core_type<sc_vector_subcore>, window_params = [{transform_indices = #map}, {transform_indices = #map1}, {transform_indices = #map}]} {
    %mul3A = arith.constant 2 : i32
    %mul3A_0 = arith.muli %arg1, %mul3A : i32
    %add3A = arith.addi %mul3A_0, %arg0 : i32
    %mul3A_1 = arith.constant 16000 : i32
    %mul3A_2 = arith.muli %add3A, %mul3A_1 : i32
    "tpu.region"() ({
      %run_scoped3A = tpu.sem_alloc : memref<!tpu.dma_semaphore, #tpu.memory_space<semaphore_mem>>
      %dma_start3A = arith.constant 0 : i32
      %dma_start3A_36 = arith.constant 0 : i32
      %dma_start3A_37 = tpu.memref_slice %arg3[%add3A, %dma_start3A, %dma_start3A_36] : memref<32x200x80xi32, #tpu.memory_space<hbm>> -> memref<1x200x80xi32, #tpu.memory_space<hbm>>
      %dma_start3A_38 = tpu.memref_squeeze %dma_start3A_37 : memref<1x200x80xi32, #tpu.memory_space<hbm>> -> memref<200x80xi32, #tpu.memory_space<hbm>>
      %dma_start3A_39 = arith.constant 0 : i32
      %dma_start3A_40 = arith.constant 0 : i32
      %dma_start3A_41 = tpu.memref_slice %arg3[%add3A, %dma_start3A_39, %dma_start3A_40] : memref<32x200x80xi32, #tpu.memory_space<hbm>> -> memref<1x200x80xi32, #tpu.memory_space<hbm>>
      %dma_start3A_42 = tpu.memref_squeeze %dma_start3A_41 : memref<1x200x80xi32, #tpu.memory_space<hbm>> -> memref<200x80xi32, #tpu.memory_space<hbm>>
      tpu.enqueue_dma source(%dma_start3A_42 : memref<200x80xi32, #tpu.memory_space<hbm>>) target(%arg5 : memref<200x80xi32, #tpu.memory_space<vmem>>) target_semaphore(%run_scoped3A : memref<!tpu.dma_semaphore, #tpu.memory_space<semaphore_mem>>)
      %dma_wait3A_43 = arith.constant 0 : i32
      %dma_wait3A_44 = arith.constant 0 : i32
      %dma_wait3A_45 = tpu.memref_slice %arg3[%add3A, %dma_wait3A_43, %dma_wait3A_44] : memref<32x200x80xi32, #tpu.memory_space<hbm>> -> memref<1x200x80xi32, #tpu.memory_space<hbm>>
      %dma_wait3A_46 = tpu.memref_squeeze %dma_wait3A_45 : memref<1x200x80xi32, #tpu.memory_space<hbm>> -> memref<200x80xi32, #tpu.memory_space<hbm>>
      %dma_wait3A_47 = arith.constant 0 : i32
      %dma_wait3A_48 = arith.constant 0 : i32
      %dma_wait3A_49 = tpu.memref_slice %arg3[%add3A, %dma_wait3A_47, %dma_wait3A_48] : memref<32x200x80xi32, #tpu.memory_space<hbm>> -> memref<1x200x80xi32, #tpu.memory_space<hbm>>
      %dma_wait3A_50 = tpu.memref_squeeze %dma_wait3A_49 : memref<1x200x80xi32, #tpu.memory_space<hbm>> -> memref<200x80xi32, #tpu.memory_space<hbm>>
      tpu.wait_dma2 semaphore(%run_scoped3A : memref<!tpu.dma_semaphore, #tpu.memory_space<semaphore_mem>>) src(%dma_wait3A_50 : memref<200x80xi32, #tpu.memory_space<hbm>>) dst(%arg5 : memref<200x80xi32, #tpu.memory_space<vmem>>)
      tpu.yield
    }) : () -> ()
    %scan3A = arith.constant 0 : i32
    %scan3A_3 = arith.constant 40 : i32
    %scan3A_4 = arith.addi %scan3A, %scan3A_3 : i32
    %scan3A_5 = arith.constant 1 : i32
    scf.for %scan3A_36 = %scan3A to %scan3A_4 step %scan3A_5  : i32 {
      %mul3A_37 = arith.constant 5 : i32
      %mul3A_38 = arith.muli %scan3A_36, %mul3A_37 : i32
      %gt3A = arith.constant 0 : i32
      %gt3A_39 = arith.cmpi sgt, %scan3A_36, %gt3A : i32
      %convert_element_type3A = arith.extui %gt3A_39 : i1 to i32
      %cond3A = arith.constant 0 : i32
      %cond3A_40 = arith.cmpi ne, %convert_element_type3A, %cond3A : i32
      scf.if %cond3A_40 {
        %dma_wait3A_175 = arith.constant 0 : i32
        %dma_wait3A_176 = arith.constant 0 : i32
        %dma_wait3A_177 = tpu.memref_slice %arg4[%dma_wait3A_175, %dma_wait3A_176] : memref<512000x128xf32, #tpu.memory_space<hbm>> -> memref<80x128xf32, #tpu.memory_space<hbm>>
        %dma_wait3A_178 = arith.constant 0 : i32
        %dma_wait3A_179 = arith.constant 0 : i32
        %dma_wait3A_180 = tpu.memref_slice %arg4[%dma_wait3A_178, %dma_wait3A_179] : memref<512000x128xf32, #tpu.memory_space<hbm>> -> memref<80x128xf32, #tpu.memory_space<hbm>>
        tpu.wait_dma2 semaphore(%arg16 : memref<!tpu.dma_semaphore, #tpu.memory_space<semaphore_mem>>) src(%arg6 : memref<80x128xf32, #tpu.memory_space<vmem>>) dst(%dma_wait3A_180 : memref<80x128xf32, #tpu.memory_space<hbm>>)
      } else {
      }
      %add3A_41 = arith.constant 0 : i32
      %add3A_42 = arith.addi %mul3A_38, %add3A_41 : i32
      %dma_start3A = arith.constant 0 : i32
      %dma_start3A_43 = tpu.memref_slice %arg5[%add3A_42, %dma_start3A] : memref<200x80xi32, #tpu.memory_space<vmem>> -> memref<1x80xi32, #tpu.memory_space<vmem>>
      %dma_start3A_44 = tpu.memref_squeeze %dma_start3A_43 : memref<1x80xi32, #tpu.memory_space<vmem>> -> memref<80xi32, #tpu.memory_space<vmem>>
      %dma_start3A_45 = arith.constant 0 : i32
      %dma_start3A_46 = arith.constant 0 : i32
      %dma_start3A_47 = tpu.memref_slice %arg2[%dma_start3A_45, %dma_start3A_46] : memref<10000x128xf32, #tpu.memory_space<hbm>> -> memref<10000x128xf32, #tpu.memory_space<hbm>>
      tpu.enqueue_indirect_dma source(%dma_start3A_47 : memref<10000x128xf32, #tpu.memory_space<hbm>>) target(%arg6 : memref<80x128xf32, #tpu.memory_space<vmem>>) offsets(%dma_start3A_44 : memref<80xi32, #tpu.memory_space<vmem>>) semaphore(%arg11 : memref<!tpu.dma_semaphore, #tpu.memory_space<semaphore_mem>>)
      %gt3A_48 = arith.constant 0 : i32
      %gt3A_49 = arith.cmpi sgt, %scan3A_36, %gt3A_48 : i32
      %convert_element_type3A_50 = arith.extui %gt3A_49 : i1 to i32
      %cond3A_51 = arith.constant 0 : i32
      %cond3A_52 = arith.cmpi ne, %convert_element_type3A_50, %cond3A_51 : i32
      scf.if %cond3A_52 {
        %dma_wait3A_175 = arith.constant 0 : i32
        %dma_wait3A_176 = arith.constant 0 : i32
        %dma_wait3A_177 = tpu.memref_slice %arg4[%dma_wait3A_175, %dma_wait3A_176] : memref<512000x128xf32, #tpu.memory_space<hbm>> -> memref<80x128xf32, #tpu.memory_space<hbm>>
        %dma_wait3A_178 = arith.constant 0 : i32
        %dma_wait3A_179 = arith.constant 0 : i32
        %dma_wait3A_180 = tpu.memref_slice %arg4[%dma_wait3A_178, %dma_wait3A_179] : memref<512000x128xf32, #tpu.memory_space<hbm>> -> memref<80x128xf32, #tpu.memory_space<hbm>>
        tpu.wait_dma2 semaphore(%arg17 : memref<!tpu.dma_semaphore, #tpu.memory_space<semaphore_mem>>) src(%arg7 : memref<80x128xf32, #tpu.memory_space<vmem>>) dst(%dma_wait3A_180 : memref<80x128xf32, #tpu.memory_space<hbm>>)
      } else {
      }
      %add3A_53 = arith.constant 1 : i32
      %add3A_54 = arith.addi %mul3A_38, %add3A_53 : i32
      %dma_start3A_55 = arith.constant 0 : i32
      %dma_start3A_56 = tpu.memref_slice %arg5[%add3A_54, %dma_start3A_55] : memref<200x80xi32, #tpu.memory_space<vmem>> -> memref<1x80xi32, #tpu.memory_space<vmem>>
      %dma_start3A_57 = tpu.memref_squeeze %dma_start3A_56 : memref<1x80xi32, #tpu.memory_space<vmem>> -> memref<80xi32, #tpu.memory_space<vmem>>
      %dma_start3A_58 = arith.constant 0 : i32
      %dma_start3A_59 = arith.constant 0 : i32
      %dma_start3A_60 = tpu.memref_slice %arg2[%dma_start3A_58, %dma_start3A_59] : memref<10000x128xf32, #tpu.memory_space<hbm>> -> memref<10000x128xf32, #tpu.memory_space<hbm>>
      tpu.enqueue_indirect_dma source(%dma_start3A_60 : memref<10000x128xf32, #tpu.memory_space<hbm>>) target(%arg7 : memref<80x128xf32, #tpu.memory_space<vmem>>) offsets(%dma_start3A_57 : memref<80xi32, #tpu.memory_space<vmem>>) semaphore(%arg12 : memref<!tpu.dma_semaphore, #tpu.memory_space<semaphore_mem>>)
      %gt3A_61 = arith.constant 0 : i32
      %gt3A_62 = arith.cmpi sgt, %scan3A_36, %gt3A_61 : i32
      %convert_element_type3A_63 = arith.extui %gt3A_62 : i1 to i32
      %cond3A_64 = arith.constant 0 : i32
      %cond3A_65 = arith.cmpi ne, %convert_element_type3A_63, %cond3A_64 : i32
      scf.if %cond3A_65 {
        %dma_wait3A_175 = arith.constant 0 : i32
        %dma_wait3A_176 = arith.constant 0 : i32
        %dma_wait3A_177 = tpu.memref_slice %arg4[%dma_wait3A_175, %dma_wait3A_176] : memref<512000x128xf32, #tpu.memory_space<hbm>> -> memref<80x128xf32, #tpu.memory_space<hbm>>
        %dma_wait3A_178 = arith.constant 0 : i32
        %dma_wait3A_179 = arith.constant 0 : i32
        %dma_wait3A_180 = tpu.memref_slice %arg4[%dma_wait3A_178, %dma_wait3A_179] : memref<512000x128xf32, #tpu.memory_space<hbm>> -> memref<80x128xf32, #tpu.memory_space<hbm>>
        tpu.wait_dma2 semaphore(%arg18 : memref<!tpu.dma_semaphore, #tpu.memory_space<semaphore_mem>>) src(%arg8 : memref<80x128xf32, #tpu.memory_space<vmem>>) dst(%dma_wait3A_180 : memref<80x128xf32, #tpu.memory_space<hbm>>)
      } else {
      }
      %add3A_66 = arith.constant 2 : i32
      %add3A_67 = arith.addi %mul3A_38, %add3A_66 : i32
      %dma_start3A_68 = arith.constant 0 : i32
      %dma_start3A_69 = tpu.memref_slice %arg5[%add3A_67, %dma_start3A_68] : memref<200x80xi32, #tpu.memory_space<vmem>> -> memref<1x80xi32, #tpu.memory_space<vmem>>
      %dma_start3A_70 = tpu.memref_squeeze %dma_start3A_69 : memref<1x80xi32, #tpu.memory_space<vmem>> -> memref<80xi32, #tpu.memory_space<vmem>>
      %dma_start3A_71 = arith.constant 0 : i32
      %dma_start3A_72 = arith.constant 0 : i32
      %dma_start3A_73 = tpu.memref_slice %arg2[%dma_start3A_71, %dma_start3A_72] : memref<10000x128xf32, #tpu.memory_space<hbm>> -> memref<10000x128xf32, #tpu.memory_space<hbm>>
      tpu.enqueue_indirect_dma source(%dma_start3A_73 : memref<10000x128xf32, #tpu.memory_space<hbm>>) target(%arg8 : memref<80x128xf32, #tpu.memory_space<vmem>>) offsets(%dma_start3A_70 : memref<80xi32, #tpu.memory_space<vmem>>) semaphore(%arg13 : memref<!tpu.dma_semaphore, #tpu.memory_space<semaphore_mem>>)
      %gt3A_74 = arith.constant 0 : i32
      %gt3A_75 = arith.cmpi sgt, %scan3A_36, %gt3A_74 : i32
      %convert_element_type3A_76 = arith.extui %gt3A_75 : i1 to i32
      %cond3A_77 = arith.constant 0 : i32
      %cond3A_78 = arith.cmpi ne, %convert_element_type3A_76, %cond3A_77 : i32
      scf.if %cond3A_78 {
        %dma_wait3A_175 = arith.constant 0 : i32
        %dma_wait3A_176 = arith.constant 0 : i32
        %dma_wait3A_177 = tpu.memref_slice %arg4[%dma_wait3A_175, %dma_wait3A_176] : memref<512000x128xf32, #tpu.memory_space<hbm>> -> memref<80x128xf32, #tpu.memory_space<hbm>>
        %dma_wait3A_178 = arith.constant 0 : i32
        %dma_wait3A_179 = arith.constant 0 : i32
        %dma_wait3A_180 = tpu.memref_slice %arg4[%dma_wait3A_178, %dma_wait3A_179] : memref<512000x128xf32, #tpu.memory_space<hbm>> -> memref<80x128xf32, #tpu.memory_space<hbm>>
        tpu.wait_dma2 semaphore(%arg19 : memref<!tpu.dma_semaphore, #tpu.memory_space<semaphore_mem>>) src(%arg9 : memref<80x128xf32, #tpu.memory_space<vmem>>) dst(%dma_wait3A_180 : memref<80x128xf32, #tpu.memory_space<hbm>>)
      } else {
      }
      %add3A_79 = arith.constant 3 : i32
      %add3A_80 = arith.addi %mul3A_38, %add3A_79 : i32
      %dma_start3A_81 = arith.constant 0 : i32
      %dma_start3A_82 = tpu.memref_slice %arg5[%add3A_80, %dma_start3A_81] : memref<200x80xi32, #tpu.memory_space<vmem>> -> memref<1x80xi32, #tpu.memory_space<vmem>>
      %dma_start3A_83 = tpu.memref_squeeze %dma_start3A_82 : memref<1x80xi32, #tpu.memory_space<vmem>> -> memref<80xi32, #tpu.memory_space<vmem>>
      %dma_start3A_84 = arith.constant 0 : i32
      %dma_start3A_85 = arith.constant 0 : i32
      %dma_start3A_86 = tpu.memref_slice %arg2[%dma_start3A_84, %dma_start3A_85] : memref<10000x128xf32, #tpu.memory_space<hbm>> -> memref<10000x128xf32, #tpu.memory_space<hbm>>
      tpu.enqueue_indirect_dma source(%dma_start3A_86 : memref<10000x128xf32, #tpu.memory_space<hbm>>) target(%arg9 : memref<80x128xf32, #tpu.memory_space<vmem>>) offsets(%dma_start3A_83 : memref<80xi32, #tpu.memory_space<vmem>>) semaphore(%arg14 : memref<!tpu.dma_semaphore, #tpu.memory_space<semaphore_mem>>)
      %gt3A_87 = arith.constant 0 : i32
      %gt3A_88 = arith.cmpi sgt, %scan3A_36, %gt3A_87 : i32
      %convert_element_type3A_89 = arith.extui %gt3A_88 : i1 to i32
      %cond3A_90 = arith.constant 0 : i32
      %cond3A_91 = arith.cmpi ne, %convert_element_type3A_89, %cond3A_90 : i32
      scf.if %cond3A_91 {
        %dma_wait3A_175 = arith.constant 0 : i32
        %dma_wait3A_176 = arith.constant 0 : i32
        %dma_wait3A_177 = tpu.memref_slice %arg4[%dma_wait3A_175, %dma_wait3A_176] : memref<512000x128xf32, #tpu.memory_space<hbm>> -> memref<80x128xf32, #tpu.memory_space<hbm>>
        %dma_wait3A_178 = arith.constant 0 : i32
        %dma_wait3A_179 = arith.constant 0 : i32
        %dma_wait3A_180 = tpu.memref_slice %arg4[%dma_wait3A_178, %dma_wait3A_179] : memref<512000x128xf32, #tpu.memory_space<hbm>> -> memref<80x128xf32, #tpu.memory_space<hbm>>
        tpu.wait_dma2 semaphore(%arg20 : memref<!tpu.dma_semaphore, #tpu.memory_space<semaphore_mem>>) src(%arg10 : memref<80x128xf32, #tpu.memory_space<vmem>>) dst(%dma_wait3A_180 : memref<80x128xf32, #tpu.memory_space<hbm>>)
      } else {
      }
      %add3A_92 = arith.constant 4 : i32
      %add3A_93 = arith.addi %mul3A_38, %add3A_92 : i32
      %dma_start3A_94 = arith.constant 0 : i32
      %dma_start3A_95 = tpu.memref_slice %arg5[%add3A_93, %dma_start3A_94] : memref<200x80xi32, #tpu.memory_space<vmem>> -> memref<1x80xi32, #tpu.memory_space<vmem>>
      %dma_start3A_96 = tpu.memref_squeeze %dma_start3A_95 : memref<1x80xi32, #tpu.memory_space<vmem>> -> memref<80xi32, #tpu.memory_space<vmem>>
      %dma_start3A_97 = arith.constant 0 : i32
      %dma_start3A_98 = arith.constant 0 : i32
      %dma_start3A_99 = tpu.memref_slice %arg2[%dma_start3A_97, %dma_start3A_98] : memref<10000x128xf32, #tpu.memory_space<hbm>> -> memref<10000x128xf32, #tpu.memory_space<hbm>>
      tpu.enqueue_indirect_dma source(%dma_start3A_99 : memref<10000x128xf32, #tpu.memory_space<hbm>>) target(%arg10 : memref<80x128xf32, #tpu.memory_space<vmem>>) offsets(%dma_start3A_96 : memref<80xi32, #tpu.memory_space<vmem>>) semaphore(%arg15 : memref<!tpu.dma_semaphore, #tpu.memory_space<semaphore_mem>>)
      %dma_wait3A_100 = arith.constant 0 : i32
      %dma_wait3A_101 = tpu.memref_slice %arg5[%add3A_42, %dma_wait3A_100] : memref<200x80xi32, #tpu.memory_space<vmem>> -> memref<1x80xi32, #tpu.memory_space<vmem>>
      %dma_wait3A_102 = tpu.memref_squeeze %dma_wait3A_101 : memref<1x80xi32, #tpu.memory_space<vmem>> -> memref<80xi32, #tpu.memory_space<vmem>>
      %dma_wait3A_103 = arith.constant 0 : i32
      %dma_wait3A_104 = arith.constant 0 : i32
      %dma_wait3A_105 = tpu.memref_slice %arg2[%dma_wait3A_103, %dma_wait3A_104] : memref<10000x128xf32, #tpu.memory_space<hbm>> -> memref<10000x128xf32, #tpu.memory_space<hbm>>
      tpu.wait_indirect_dma semaphore(%arg11 : memref<!tpu.dma_semaphore, #tpu.memory_space<semaphore_mem>>) src(%dma_wait3A_105 : memref<10000x128xf32, #tpu.memory_space<hbm>>) dst(%arg6 : memref<80x128xf32, #tpu.memory_space<vmem>>)
      %add3A_106 = arith.constant 0 : i32
      %add3A_107 = arith.addi %mul3A_38, %add3A_106 : i32
      %mul3A_108 = arith.constant 80 : i32
      %mul3A_109 = arith.muli %add3A_107, %mul3A_108 : i32
      %add3A_110 = arith.addi %mul3A_2, %mul3A_109 : i32
      %dma_start3A_111 = arith.constant 0 : i32
      %dma_start3A_112 = tpu.memref_slice %arg4[%add3A_110, %dma_start3A_111] : memref<512000x128xf32, #tpu.memory_space<hbm>> -> memref<80x128xf32, #tpu.memory_space<hbm>>
      %dma_start3A_113 = arith.constant 0 : i32
      %dma_start3A_114 = tpu.memref_slice %arg4[%add3A_110, %dma_start3A_113] : memref<512000x128xf32, #tpu.memory_space<hbm>> -> memref<80x128xf32, #tpu.memory_space<hbm>>
      tpu.enqueue_dma source(%arg6 : memref<80x128xf32, #tpu.memory_space<vmem>>) target(%dma_start3A_114 : memref<80x128xf32, #tpu.memory_space<hbm>>) target_semaphore(%arg16 : memref<!tpu.dma_semaphore, #tpu.memory_space<semaphore_mem>>)
      %dma_wait3A_115 = arith.constant 0 : i32
      %dma_wait3A_116 = tpu.memref_slice %arg5[%add3A_54, %dma_wait3A_115] : memref<200x80xi32, #tpu.memory_space<vmem>> -> memref<1x80xi32, #tpu.memory_space<vmem>>
      %dma_wait3A_117 = tpu.memref_squeeze %dma_wait3A_116 : memref<1x80xi32, #tpu.memory_space<vmem>> -> memref<80xi32, #tpu.memory_space<vmem>>
      %dma_wait3A_118 = arith.constant 0 : i32
      %dma_wait3A_119 = arith.constant 0 : i32
      %dma_wait3A_120 = tpu.memref_slice %arg2[%dma_wait3A_118, %dma_wait3A_119] : memref<10000x128xf32, #tpu.memory_space<hbm>> -> memref<10000x128xf32, #tpu.memory_space<hbm>>
      tpu.wait_indirect_dma semaphore(%arg12 : memref<!tpu.dma_semaphore, #tpu.memory_space<semaphore_mem>>) src(%dma_wait3A_120 : memref<10000x128xf32, #tpu.memory_space<hbm>>) dst(%arg7 : memref<80x128xf32, #tpu.memory_space<vmem>>)
      %add3A_121 = arith.constant 1 : i32
      %add3A_122 = arith.addi %mul3A_38, %add3A_121 : i32
      %mul3A_123 = arith.constant 80 : i32
      %mul3A_124 = arith.muli %add3A_122, %mul3A_123 : i32
      %add3A_125 = arith.addi %mul3A_2, %mul3A_124 : i32
      %dma_start3A_126 = arith.constant 0 : i32
      %dma_start3A_127 = tpu.memref_slice %arg4[%add3A_125, %dma_start3A_126] : memref<512000x128xf32, #tpu.memory_space<hbm>> -> memref<80x128xf32, #tpu.memory_space<hbm>>
      %dma_start3A_128 = arith.constant 0 : i32
      %dma_start3A_129 = tpu.memref_slice %arg4[%add3A_125, %dma_start3A_128] : memref<512000x128xf32, #tpu.memory_space<hbm>> -> memref<80x128xf32, #tpu.memory_space<hbm>>
      tpu.enqueue_dma source(%arg7 : memref<80x128xf32, #tpu.memory_space<vmem>>) target(%dma_start3A_129 : memref<80x128xf32, #tpu.memory_space<hbm>>) target_semaphore(%arg17 : memref<!tpu.dma_semaphore, #tpu.memory_space<semaphore_mem>>)
      %dma_wait3A_130 = arith.constant 0 : i32
      %dma_wait3A_131 = tpu.memref_slice %arg5[%add3A_67, %dma_wait3A_130] : memref<200x80xi32, #tpu.memory_space<vmem>> -> memref<1x80xi32, #tpu.memory_space<vmem>>
      %dma_wait3A_132 = tpu.memref_squeeze %dma_wait3A_131 : memref<1x80xi32, #tpu.memory_space<vmem>> -> memref<80xi32, #tpu.memory_space<vmem>>
      %dma_wait3A_133 = arith.constant 0 : i32
      %dma_wait3A_134 = arith.constant 0 : i32
      %dma_wait3A_135 = tpu.memref_slice %arg2[%dma_wait3A_133, %dma_wait3A_134] : memref<10000x128xf32, #tpu.memory_space<hbm>> -> memref<10000x128xf32, #tpu.memory_space<hbm>>
      tpu.wait_indirect_dma semaphore(%arg13 : memref<!tpu.dma_semaphore, #tpu.memory_space<semaphore_mem>>) src(%dma_wait3A_135 : memref<10000x128xf32, #tpu.memory_space<hbm>>) dst(%arg8 : memref<80x128xf32, #tpu.memory_space<vmem>>)
      %add3A_136 = arith.constant 2 : i32
      %add3A_137 = arith.addi %mul3A_38, %add3A_136 : i32
      %mul3A_138 = arith.constant 80 : i32
      %mul3A_139 = arith.muli %add3A_137, %mul3A_138 : i32
      %add3A_140 = arith.addi %mul3A_2, %mul3A_139 : i32
      %dma_start3A_141 = arith.constant 0 : i32
      %dma_start3A_142 = tpu.memref_slice %arg4[%add3A_140, %dma_start3A_141] : memref<512000x128xf32, #tpu.memory_space<hbm>> -> memref<80x128xf32, #tpu.memory_space<hbm>>
      %dma_start3A_143 = arith.constant 0 : i32
      %dma_start3A_144 = tpu.memref_slice %arg4[%add3A_140, %dma_start3A_143] : memref<512000x128xf32, #tpu.memory_space<hbm>> -> memref<80x128xf32, #tpu.memory_space<hbm>>
      tpu.enqueue_dma source(%arg8 : memref<80x128xf32, #tpu.memory_space<vmem>>) target(%dma_start3A_144 : memref<80x128xf32, #tpu.memory_space<hbm>>) target_semaphore(%arg18 : memref<!tpu.dma_semaphore, #tpu.memory_space<semaphore_mem>>)
      %dma_wait3A_145 = arith.constant 0 : i32
      %dma_wait3A_146 = tpu.memref_slice %arg5[%add3A_80, %dma_wait3A_145] : memref<200x80xi32, #tpu.memory_space<vmem>> -> memref<1x80xi32, #tpu.memory_space<vmem>>
      %dma_wait3A_147 = tpu.memref_squeeze %dma_wait3A_146 : memref<1x80xi32, #tpu.memory_space<vmem>> -> memref<80xi32, #tpu.memory_space<vmem>>
      %dma_wait3A_148 = arith.constant 0 : i32
      %dma_wait3A_149 = arith.constant 0 : i32
      %dma_wait3A_150 = tpu.memref_slice %arg2[%dma_wait3A_148, %dma_wait3A_149] : memref<10000x128xf32, #tpu.memory_space<hbm>> -> memref<10000x128xf32, #tpu.memory_space<hbm>>
      tpu.wait_indirect_dma semaphore(%arg14 : memref<!tpu.dma_semaphore, #tpu.memory_space<semaphore_mem>>) src(%dma_wait3A_150 : memref<10000x128xf32, #tpu.memory_space<hbm>>) dst(%arg9 : memref<80x128xf32, #tpu.memory_space<vmem>>)
      %add3A_151 = arith.constant 3 : i32
      %add3A_152 = arith.addi %mul3A_38, %add3A_151 : i32
      %mul3A_153 = arith.constant 80 : i32
      %mul3A_154 = arith.muli %add3A_152, %mul3A_153 : i32
      %add3A_155 = arith.addi %mul3A_2, %mul3A_154 : i32
      %dma_start3A_156 = arith.constant 0 : i32
      %dma_start3A_157 = tpu.memref_slice %arg4[%add3A_155, %dma_start3A_156] : memref<512000x128xf32, #tpu.memory_space<hbm>> -> memref<80x128xf32, #tpu.memory_space<hbm>>
      %dma_start3A_158 = arith.constant 0 : i32
      %dma_start3A_159 = tpu.memref_slice %arg4[%add3A_155, %dma_start3A_158] : memref<512000x128xf32, #tpu.memory_space<hbm>> -> memref<80x128xf32, #tpu.memory_space<hbm>>
      tpu.enqueue_dma source(%arg9 : memref<80x128xf32, #tpu.memory_space<vmem>>) target(%dma_start3A_159 : memref<80x128xf32, #tpu.memory_space<hbm>>) target_semaphore(%arg19 : memref<!tpu.dma_semaphore, #tpu.memory_space<semaphore_mem>>)
      %dma_wait3A_160 = arith.constant 0 : i32
      %dma_wait3A_161 = tpu.memref_slice %arg5[%add3A_93, %dma_wait3A_160] : memref<200x80xi32, #tpu.memory_space<vmem>> -> memref<1x80xi32, #tpu.memory_space<vmem>>
      %dma_wait3A_162 = tpu.memref_squeeze %dma_wait3A_161 : memref<1x80xi32, #tpu.memory_space<vmem>> -> memref<80xi32, #tpu.memory_space<vmem>>
      %dma_wait3A_163 = arith.constant 0 : i32
      %dma_wait3A_164 = arith.constant 0 : i32
      %dma_wait3A_165 = tpu.memref_slice %arg2[%dma_wait3A_163, %dma_wait3A_164] : memref<10000x128xf32, #tpu.memory_space<hbm>> -> memref<10000x128xf32, #tpu.memory_space<hbm>>
      tpu.wait_indirect_dma semaphore(%arg15 : memref<!tpu.dma_semaphore, #tpu.memory_space<semaphore_mem>>) src(%dma_wait3A_165 : memref<10000x128xf32, #tpu.memory_space<hbm>>) dst(%arg10 : memref<80x128xf32, #tpu.memory_space<vmem>>)
      %add3A_166 = arith.constant 4 : i32
      %add3A_167 = arith.addi %mul3A_38, %add3A_166 : i32
      %mul3A_168 = arith.constant 80 : i32
      %mul3A_169 = arith.muli %add3A_167, %mul3A_168 : i32
      %add3A_170 = arith.addi %mul3A_2, %mul3A_169 : i32
      %dma_start3A_171 = arith.constant 0 : i32
      %dma_start3A_172 = tpu.memref_slice %arg4[%add3A_170, %dma_start3A_171] : memref<512000x128xf32, #tpu.memory_space<hbm>> -> memref<80x128xf32, #tpu.memory_space<hbm>>
      %dma_start3A_173 = arith.constant 0 : i32
      %dma_start3A_174 = tpu.memref_slice %arg4[%add3A_170, %dma_start3A_173] : memref<512000x128xf32, #tpu.memory_space<hbm>> -> memref<80x128xf32, #tpu.memory_space<hbm>>
      tpu.enqueue_dma source(%arg10 : memref<80x128xf32, #tpu.memory_space<vmem>>) target(%dma_start3A_174 : memref<80x128xf32, #tpu.memory_space<hbm>>) target_semaphore(%arg20 : memref<!tpu.dma_semaphore, #tpu.memory_space<semaphore_mem>>)
    }
    %scan3A_6 = arith.constant 40 : i32
    %dma_wait3A = arith.constant 0 : i32
    %dma_wait3A_7 = arith.constant 0 : i32
    %dma_wait3A_8 = tpu.memref_slice %arg4[%dma_wait3A, %dma_wait3A_7] : memref<512000x128xf32, #tpu.memory_space<hbm>> -> memref<80x128xf32, #tpu.memory_space<hbm>>
    %dma_wait3A_9 = arith.constant 0 : i32
    %dma_wait3A_10 = arith.constant 0 : i32
    %dma_wait3A_11 = tpu.memref_slice %arg4[%dma_wait3A_9, %dma_wait3A_10] : memref<512000x128xf32, #tpu.memory_space<hbm>> -> memref<80x128xf32, #tpu.memory_space<hbm>>
    tpu.wait_dma2 semaphore(%arg16 : memref<!tpu.dma_semaphore, #tpu.memory_space<semaphore_mem>>) src(%arg6 : memref<80x128xf32, #tpu.memory_space<vmem>>) dst(%dma_wait3A_11 : memref<80x128xf32, #tpu.memory_space<hbm>>)
    %dma_wait3A_12 = arith.constant 0 : i32
    %dma_wait3A_13 = arith.constant 0 : i32
    %dma_wait3A_14 = tpu.memref_slice %arg4[%dma_wait3A_12, %dma_wait3A_13] : memref<512000x128xf32, #tpu.memory_space<hbm>> -> memref<80x128xf32, #tpu.memory_space<hbm>>
    %dma_wait3A_15 = arith.constant 0 : i32
    %dma_wait3A_16 = arith.constant 0 : i32
    %dma_wait3A_17 = tpu.memref_slice %arg4[%dma_wait3A_15, %dma_wait3A_16] : memref<512000x128xf32, #tpu.memory_space<hbm>> -> memref<80x128xf32, #tpu.memory_space<hbm>>
    tpu.wait_dma2 semaphore(%arg17 : memref<!tpu.dma_semaphore, #tpu.memory_space<semaphore_mem>>) src(%arg7 : memref<80x128xf32, #tpu.memory_space<vmem>>) dst(%dma_wait3A_17 : memref<80x128xf32, #tpu.memory_space<hbm>>)
    %dma_wait3A_18 = arith.constant 0 : i32
    %dma_wait3A_19 = arith.constant 0 : i32
    %dma_wait3A_20 = tpu.memref_slice %arg4[%dma_wait3A_18, %dma_wait3A_19] : memref<512000x128xf32, #tpu.memory_space<hbm>> -> memref<80x128xf32, #tpu.memory_space<hbm>>
    %dma_wait3A_21 = arith.constant 0 : i32
    %dma_wait3A_22 = arith.constant 0 : i32
    %dma_wait3A_23 = tpu.memref_slice %arg4[%dma_wait3A_21, %dma_wait3A_22] : memref<512000x128xf32, #tpu.memory_space<hbm>> -> memref<80x128xf32, #tpu.memory_space<hbm>>
    tpu.wait_dma2 semaphore(%arg18 : memref<!tpu.dma_semaphore, #tpu.memory_space<semaphore_mem>>) src(%arg8 : memref<80x128xf32, #tpu.memory_space<vmem>>) dst(%dma_wait3A_23 : memref<80x128xf32, #tpu.memory_space<hbm>>)
    %dma_wait3A_24 = arith.constant 0 : i32
    %dma_wait3A_25 = arith.constant 0 : i32
    %dma_wait3A_26 = tpu.memref_slice %arg4[%dma_wait3A_24, %dma_wait3A_25] : memref<512000x128xf32, #tpu.memory_space<hbm>> -> memref<80x128xf32, #tpu.memory_space<hbm>>
    %dma_wait3A_27 = arith.constant 0 : i32
    %dma_wait3A_28 = arith.constant 0 : i32
    %dma_wait3A_29 = tpu.memref_slice %arg4[%dma_wait3A_27, %dma_wait3A_28] : memref<512000x128xf32, #tpu.memory_space<hbm>> -> memref<80x128xf32, #tpu.memory_space<hbm>>
    tpu.wait_dma2 semaphore(%arg19 : memref<!tpu.dma_semaphore, #tpu.memory_space<semaphore_mem>>) src(%arg9 : memref<80x128xf32, #tpu.memory_space<vmem>>) dst(%dma_wait3A_29 : memref<80x128xf32, #tpu.memory_space<hbm>>)
    %dma_wait3A_30 = arith.constant 0 : i32
    %dma_wait3A_31 = arith.constant 0 : i32
    %dma_wait3A_32 = tpu.memref_slice %arg4[%dma_wait3A_30, %dma_wait3A_31] : memref<512000x128xf32, #tpu.memory_space<hbm>> -> memref<80x128xf32, #tpu.memory_space<hbm>>
    %dma_wait3A_33 = arith.constant 0 : i32
    %dma_wait3A_34 = arith.constant 0 : i32
    %dma_wait3A_35 = tpu.memref_slice %arg4[%dma_wait3A_33, %dma_wait3A_34] : memref<512000x128xf32, #tpu.memory_space<hbm>> -> memref<80x128xf32, #tpu.memory_space<hbm>>
    tpu.wait_dma2 semaphore(%arg20 : memref<!tpu.dma_semaphore, #tpu.memory_space<semaphore_mem>>) src(%arg10 : memref<80x128xf32, #tpu.memory_space<vmem>>) dst(%dma_wait3A_35 : memref<80x128xf32, #tpu.memory_space<hbm>>)
    return
  }
}

module attributes {stable_mosaic.version = 14 : i64} {
  func.func @_tc_body(%arg0: i32, %arg1: memref<4000x128xf32, #tpu.memory_space<vmem>>, %arg2: memref<4000x128xf32, #tpu.memory_space<vmem>>, %arg3: memref<4x128x640xf32, #tpu.memory_space<vmem>>, %arg4: memref<4x256xf32, #tpu.memory_space<vmem>>, %arg5: memref<1x128xf32, #tpu.memory_space<vmem>>, %arg6: memref<4x256x128xf32, #tpu.memory_space<vmem>>, %arg7: memref<4x1xf32, #tpu.memory_space<vmem>>, %arg8: memref<1x128xf32, #tpu.memory_space<vmem>>, %arg9: memref<4000x1xf32, #tpu.memory_space<vmem>>, %arg10: memref<1x128xf32, #tpu.memory_space<vmem>>, %arg11: memref<1x1xf32, #tpu.memory_space<vmem>>) attributes {dimension_semantics = [#tpu.dimension_semantics<arbitrary>], iteration_bounds = array<i64: 16>, scalar_prefetch = 0 : i64, scratch_operands = 0 : i64, tpu.core_type = #tpu.core_type<tc>, window_params = [{transform_indices = @transform_0, window_bounds = array<i64: 4000, 128>}, {transform_indices = @transform_1, window_bounds = array<i64: 4000, 128>}, {pipeline_mode = #tpu.pipeline_mode<synchronous>, transform_indices = @transform_2, window_bounds = array<i64: 4, 128, 640>}, {pipeline_mode = #tpu.pipeline_mode<synchronous>, transform_indices = @transform_3, window_bounds = array<i64: 4, 256>}, {pipeline_mode = #tpu.pipeline_mode<synchronous>, transform_indices = @transform_4, window_bounds = array<i64: 1, 128>}, {pipeline_mode = #tpu.pipeline_mode<synchronous>, transform_indices = @transform_5, window_bounds = array<i64: 4, 256, 128>}, {pipeline_mode = #tpu.pipeline_mode<synchronous>, transform_indices = @transform_6, window_bounds = array<i64: 4, 1>}, {pipeline_mode = #tpu.pipeline_mode<synchronous>, transform_indices = @transform_7, window_bounds = array<i64: 1, 128>}, {transform_indices = @transform_8, window_bounds = array<i64: 4000, 1>}, {pipeline_mode = #tpu.pipeline_mode<synchronous>, transform_indices = @transform_9, window_bounds = array<i64: 1, 128>}, {pipeline_mode = #tpu.pipeline_mode<synchronous>, transform_indices = @transform_10, window_bounds = array<i64: 1, 1>}]} {
    %get3A = arith.constant 0 : index
    %get3A_0 = arith.constant 0 : index
    %get3A_1 = vector.load %arg1[%get3A, %get3A_0] : memref<4000x128xf32, #tpu.memory_space<vmem>>, vector<4000x128xf32>
    %get3A_2 = arith.constant 0 : index
    %get3A_3 = arith.constant 0 : index
    %get3A_4 = vector.load %arg2[%get3A_2, %get3A_3] : memref<4000x128xf32, #tpu.memory_space<vmem>>, vector<4000x128xf32>
    %sub3A = arith.subf %get3A_1, %get3A_4 : vector<4000x128xf32>
    %abs3A = math.absf %sub3A : vector<4000x128xf32>
    %mul3A = arith.mulf %get3A_1, %get3A_4 : vector<4000x128xf32>
    %get3A_5 = arith.constant 0 : index
    %get3A_6 = arith.constant 0 : index
    %get3A_7 = arith.constant 0 : index
    %get3A_8 = vector.load %arg3[%get3A_5, %get3A_6, %get3A_7] : memref<4x128x640xf32, #tpu.memory_space<vmem>>, vector<1x128x640xf32>
    %get3A_9 = vector.shape_cast %get3A_8 : vector<1x128x640xf32> to vector<128x640xf32>
    %dot_general3A = arith.constant dense<0.000000e+00> : vector<4000x640xf32>
    %dot_general3A_10 = tpu.matmul %get3A_1, %get3A_9, %dot_general3A {dimension_numbers = #tpu.dot_dimension_numbers<[1], [0], [0], [1], [0, 0, 1, 1], [], []>, transpose_lhs_hint = false} : vector<4000x128xf32>, vector<128x640xf32>, vector<4000x640xf32> -> vector<4000x640xf32>
    %get3A_11 = arith.constant 1 : index
    %get3A_12 = arith.constant 0 : index
    %get3A_13 = arith.constant 0 : index
    %get3A_14 = vector.load %arg3[%get3A_11, %get3A_12, %get3A_13] : memref<4x128x640xf32, #tpu.memory_space<vmem>>, vector<1x128x640xf32>
    %get3A_15 = vector.shape_cast %get3A_14 : vector<1x128x640xf32> to vector<128x640xf32>
    %dot_general3A_16 = arith.constant dense<0.000000e+00> : vector<4000x640xf32>
    %dot_general3A_17 = tpu.matmul %get3A_4, %get3A_15, %dot_general3A_16 {dimension_numbers = #tpu.dot_dimension_numbers<[1], [0], [0], [1], [0, 0, 1, 1], [], []>, transpose_lhs_hint = false} : vector<4000x128xf32>, vector<128x640xf32>, vector<4000x640xf32> -> vector<4000x640xf32>
    %get3A_18 = arith.constant 2 : index
    %get3A_19 = arith.constant 0 : index
    %get3A_20 = arith.constant 0 : index
    %get3A_21 = vector.load %arg3[%get3A_18, %get3A_19, %get3A_20] : memref<4x128x640xf32, #tpu.memory_space<vmem>>, vector<1x128x640xf32>
    %get3A_22 = vector.shape_cast %get3A_21 : vector<1x128x640xf32> to vector<128x640xf32>
    %dot_general3A_23 = arith.constant dense<0.000000e+00> : vector<4000x640xf32>
    %dot_general3A_24 = tpu.matmul %abs3A, %get3A_22, %dot_general3A_23 {dimension_numbers = #tpu.dot_dimension_numbers<[1], [0], [0], [1], [0, 0, 1, 1], [], []>, transpose_lhs_hint = false} : vector<4000x128xf32>, vector<128x640xf32>, vector<4000x640xf32> -> vector<4000x640xf32>
    %get3A_25 = arith.constant 3 : index
    %get3A_26 = arith.constant 0 : index
    %get3A_27 = arith.constant 0 : index
    %get3A_28 = vector.load %arg3[%get3A_25, %get3A_26, %get3A_27] : memref<4x128x640xf32, #tpu.memory_space<vmem>>, vector<1x128x640xf32>
    %get3A_29 = vector.shape_cast %get3A_28 : vector<1x128x640xf32> to vector<128x640xf32>
    %dot_general3A_30 = arith.constant dense<0.000000e+00> : vector<4000x640xf32>
    %dot_general3A_31 = tpu.matmul %mul3A, %get3A_29, %dot_general3A_30 {dimension_numbers = #tpu.dot_dimension_numbers<[1], [0], [0], [1], [0, 0, 1, 1], [], []>, transpose_lhs_hint = false} : vector<4000x128xf32>, vector<128x640xf32>, vector<4000x640xf32> -> vector<4000x640xf32>
    %get3A_32 = arith.constant 0 : index
    %get3A_33 = arith.constant 0 : index
    %get3A_34 = vector.load %arg4[%get3A_32, %get3A_33] : memref<4x256xf32, #tpu.memory_space<vmem>>, vector<4x256xf32>
    %slice3A = vector.extract_strided_slice %dot_general3A_10 {offsets = [0, 0], sizes = [4000, 256], strides = [1, 1]} : vector<4000x640xf32> to vector<4000x256xf32>
    %slice3A_35 = vector.extract_strided_slice %dot_general3A_17 {offsets = [0, 0], sizes = [4000, 256], strides = [1, 1]} : vector<4000x640xf32> to vector<4000x256xf32>
    %add3A = arith.addf %slice3A, %slice3A_35 : vector<4000x256xf32>
    %slice3A_36 = vector.extract_strided_slice %get3A_34 {offsets = [0, 0], sizes = [1, 256], strides = [1, 1]} : vector<4x256xf32> to vector<1x256xf32>
    %squeeze3A = vector.shape_cast %slice3A_36 : vector<1x256xf32> to vector<256xf32>
    %broadcast_in_dim3A = vector.shape_cast %squeeze3A : vector<256xf32> to vector<1x256xf32>
    %add3A_37 = vector.broadcast %broadcast_in_dim3A : vector<1x256xf32> to vector<4000x256xf32>
    %add3A_38 = arith.addf %add3A, %add3A_37 : vector<4000x256xf32>
    %max3A = arith.constant 0.000000e+00 : f32
    %max3A_39 = vector.broadcast %max3A : f32 to vector<4000x256xf32>
    %max3A_40 = arith.maximumf %add3A_38, %max3A_39 : vector<4000x256xf32>
    %slice3A_41 = vector.extract_strided_slice %dot_general3A_24 {offsets = [0, 0], sizes = [4000, 256], strides = [1, 1]} : vector<4000x640xf32> to vector<4000x256xf32>
    %slice3A_42 = vector.extract_strided_slice %get3A_34 {offsets = [1, 0], sizes = [1, 256], strides = [1, 1]} : vector<4x256xf32> to vector<1x256xf32>
    %squeeze3A_43 = vector.shape_cast %slice3A_42 : vector<1x256xf32> to vector<256xf32>
    %broadcast_in_dim3A_44 = vector.shape_cast %squeeze3A_43 : vector<256xf32> to vector<1x256xf32>
    %add3A_45 = vector.broadcast %broadcast_in_dim3A_44 : vector<1x256xf32> to vector<4000x256xf32>
    %add3A_46 = arith.addf %slice3A_41, %add3A_45 : vector<4000x256xf32>
    %max3A_47 = arith.constant 0.000000e+00 : f32
    %max3A_48 = vector.broadcast %max3A_47 : f32 to vector<4000x256xf32>
    %max3A_49 = arith.maximumf %add3A_46, %max3A_48 : vector<4000x256xf32>
    %slice3A_50 = vector.extract_strided_slice %dot_general3A_31 {offsets = [0, 0], sizes = [4000, 256], strides = [1, 1]} : vector<4000x640xf32> to vector<4000x256xf32>
    %slice3A_51 = vector.extract_strided_slice %get3A_34 {offsets = [2, 0], sizes = [1, 256], strides = [1, 1]} : vector<4x256xf32> to vector<1x256xf32>
    %squeeze3A_52 = vector.shape_cast %slice3A_51 : vector<1x256xf32> to vector<256xf32>
    %broadcast_in_dim3A_53 = vector.shape_cast %squeeze3A_52 : vector<256xf32> to vector<1x256xf32>
    %add3A_54 = vector.broadcast %broadcast_in_dim3A_53 : vector<1x256xf32> to vector<4000x256xf32>
    %add3A_55 = arith.addf %slice3A_50, %add3A_54 : vector<4000x256xf32>
    %max3A_56 = arith.constant 0.000000e+00 : f32
    %max3A_57 = vector.broadcast %max3A_56 : f32 to vector<4000x256xf32>
    %max3A_58 = arith.maximumf %add3A_55, %max3A_57 : vector<4000x256xf32>
    %slice3A_59 = vector.extract_strided_slice %dot_general3A_10 {offsets = [0, 256], sizes = [4000, 256], strides = [1, 1]} : vector<4000x640xf32> to vector<4000x256xf32>
    %slice3A_60 = vector.extract_strided_slice %dot_general3A_17 {offsets = [0, 256], sizes = [4000, 256], strides = [1, 1]} : vector<4000x640xf32> to vector<4000x256xf32>
    %add3A_61 = arith.addf %slice3A_59, %slice3A_60 : vector<4000x256xf32>
    %slice3A_62 = vector.extract_strided_slice %dot_general3A_24 {offsets = [0, 256], sizes = [4000, 256], strides = [1, 1]} : vector<4000x640xf32> to vector<4000x256xf32>
    %slice3A_63 = vector.extract_strided_slice %dot_general3A_31 {offsets = [0, 256], sizes = [4000, 256], strides = [1, 1]} : vector<4000x640xf32> to vector<4000x256xf32>
    %add3A_64 = arith.addf %slice3A_62, %slice3A_63 : vector<4000x256xf32>
    %add3A_65 = arith.addf %add3A_61, %add3A_64 : vector<4000x256xf32>
    %slice3A_66 = vector.extract_strided_slice %get3A_34 {offsets = [3, 0], sizes = [1, 256], strides = [1, 1]} : vector<4x256xf32> to vector<1x256xf32>
    %squeeze3A_67 = vector.shape_cast %slice3A_66 : vector<1x256xf32> to vector<256xf32>
    %broadcast_in_dim3A_68 = vector.shape_cast %squeeze3A_67 : vector<256xf32> to vector<1x256xf32>
    %add3A_69 = vector.broadcast %broadcast_in_dim3A_68 : vector<1x256xf32> to vector<4000x256xf32>
    %add3A_70 = arith.addf %add3A_65, %add3A_69 : vector<4000x256xf32>
    %max3A_71 = arith.constant 0.000000e+00 : f32
    %max3A_72 = vector.broadcast %max3A_71 : f32 to vector<4000x256xf32>
    %max3A_73 = arith.maximumf %add3A_70, %max3A_72 : vector<4000x256xf32>
    %slice3A_74 = vector.extract_strided_slice %dot_general3A_10 {offsets = [0, 512], sizes = [4000, 128], strides = [1, 1]} : vector<4000x640xf32> to vector<4000x128xf32>
    %slice3A_75 = vector.extract_strided_slice %dot_general3A_17 {offsets = [0, 512], sizes = [4000, 128], strides = [1, 1]} : vector<4000x640xf32> to vector<4000x128xf32>
    %add3A_76 = arith.addf %slice3A_74, %slice3A_75 : vector<4000x128xf32>
    %slice3A_77 = vector.extract_strided_slice %dot_general3A_24 {offsets = [0, 512], sizes = [4000, 128], strides = [1, 1]} : vector<4000x640xf32> to vector<4000x128xf32>
    %slice3A_78 = vector.extract_strided_slice %dot_general3A_31 {offsets = [0, 512], sizes = [4000, 128], strides = [1, 1]} : vector<4000x640xf32> to vector<4000x128xf32>
    %add3A_79 = arith.addf %slice3A_77, %slice3A_78 : vector<4000x128xf32>
    %add3A_80 = arith.addf %add3A_76, %add3A_79 : vector<4000x128xf32>
    %get3A_81 = arith.constant 0 : index
    %get3A_82 = arith.constant 0 : index
    %get3A_83 = vector.load %arg5[%get3A_81, %get3A_82] : memref<1x128xf32, #tpu.memory_space<vmem>>, vector<1x128xf32>
    %add3A_84 = vector.broadcast %get3A_83 : vector<1x128xf32> to vector<4000x128xf32>
    %add3A_85 = arith.addf %add3A_80, %add3A_84 : vector<4000x128xf32>
    %reduce_max3A = arith.constant dense<0xFF800000> : vector<4000xf32>
    %reduce_max3A_86 = vector.multi_reduction <maximumf>, %add3A_85, %reduce_max3A [1] : vector<4000x128xf32> to vector<4000xf32>
    %broadcast_in_dim3A_87 = vector.shape_cast %reduce_max3A_86 : vector<4000xf32> to vector<4000x1xf32>
    %sub3A_88 = vector.broadcast %broadcast_in_dim3A_87 : vector<4000x1xf32> to vector<4000x128xf32>
    %sub3A_89 = arith.subf %add3A_85, %sub3A_88 : vector<4000x128xf32>
    %exp3A = math.exp %sub3A_89 : vector<4000x128xf32>
    %reduce_sum3A = arith.constant dense<0.000000e+00> : vector<4000xf32>
    %reduce_sum3A_90 = vector.multi_reduction <add>, %exp3A, %reduce_sum3A [1] : vector<4000x128xf32> to vector<4000xf32>
    %broadcast_in_dim3A_91 = vector.shape_cast %reduce_sum3A_90 : vector<4000xf32> to vector<4000x1xf32>
    %div3A = arith.constant 1.000000e+00 : f32
    %div3A_92 = vector.broadcast %div3A : f32 to vector<4000x1xf32>
    %div3A_93 = arith.divf %div3A_92, %broadcast_in_dim3A_91 : vector<4000x1xf32>
    %get3A_94 = arith.constant 0 : index
    %get3A_95 = arith.constant 0 : index
    %get3A_96 = vector.load %arg7[%get3A_94, %get3A_95] : memref<4x1xf32, #tpu.memory_space<vmem>>, vector<4x1xf32>
    %get3A_97 = arith.constant 0 : index
    %get3A_98 = arith.constant 0 : index
    %get3A_99 = arith.constant 0 : index
    %get3A_100 = vector.load %arg6[%get3A_97, %get3A_98, %get3A_99] : memref<4x256x128xf32, #tpu.memory_space<vmem>>, vector<1x256x128xf32>
    %get3A_101 = vector.shape_cast %get3A_100 : vector<1x256x128xf32> to vector<256x128xf32>
    %dot_general3A_102 = arith.constant dense<0.000000e+00> : vector<4000x128xf32>
    %dot_general3A_103 = tpu.matmul %max3A_40, %get3A_101, %dot_general3A_102 {dimension_numbers = #tpu.dot_dimension_numbers<[1], [0], [0], [1], [0, 0, 1, 1], [], []>, transpose_lhs_hint = false} : vector<4000x256xf32>, vector<256x128xf32>, vector<4000x128xf32> -> vector<4000x128xf32>
    %slice3A_104 = vector.extract_strided_slice %dot_general3A_103 {offsets = [0, 0], sizes = [4000, 1], strides = [1, 1]} : vector<4000x128xf32> to vector<4000x1xf32>
    %slice3A_105 = vector.extract_strided_slice %get3A_96 {offsets = [0, 0], sizes = [1, 1], strides = [1, 1]} : vector<4x1xf32> to vector<1x1xf32>
    %add3A_106 = vector.broadcast %slice3A_105 : vector<1x1xf32> to vector<4000x1xf32>
    %add3A_107 = arith.addf %slice3A_104, %add3A_106 : vector<4000x1xf32>
    %get3A_108 = arith.constant 1 : index
    %get3A_109 = arith.constant 0 : index
    %get3A_110 = arith.constant 0 : index
    %get3A_111 = vector.load %arg6[%get3A_108, %get3A_109, %get3A_110] : memref<4x256x128xf32, #tpu.memory_space<vmem>>, vector<1x256x128xf32>
    %get3A_112 = vector.shape_cast %get3A_111 : vector<1x256x128xf32> to vector<256x128xf32>
    %dot_general3A_113 = arith.constant dense<0.000000e+00> : vector<4000x128xf32>
    %dot_general3A_114 = tpu.matmul %max3A_49, %get3A_112, %dot_general3A_113 {dimension_numbers = #tpu.dot_dimension_numbers<[1], [0], [0], [1], [0, 0, 1, 1], [], []>, transpose_lhs_hint = false} : vector<4000x256xf32>, vector<256x128xf32>, vector<4000x128xf32> -> vector<4000x128xf32>
    %slice3A_115 = vector.extract_strided_slice %dot_general3A_114 {offsets = [0, 0], sizes = [4000, 1], strides = [1, 1]} : vector<4000x128xf32> to vector<4000x1xf32>
    %slice3A_116 = vector.extract_strided_slice %get3A_96 {offsets = [1, 0], sizes = [1, 1], strides = [1, 1]} : vector<4x1xf32> to vector<1x1xf32>
    %add3A_117 = vector.broadcast %slice3A_116 : vector<1x1xf32> to vector<4000x1xf32>
    %add3A_118 = arith.addf %slice3A_115, %add3A_117 : vector<4000x1xf32>
    %get3A_119 = arith.constant 2 : index
    %get3A_120 = arith.constant 0 : index
    %get3A_121 = arith.constant 0 : index
    %get3A_122 = vector.load %arg6[%get3A_119, %get3A_120, %get3A_121] : memref<4x256x128xf32, #tpu.memory_space<vmem>>, vector<1x256x128xf32>
    %get3A_123 = vector.shape_cast %get3A_122 : vector<1x256x128xf32> to vector<256x128xf32>
    %dot_general3A_124 = arith.constant dense<0.000000e+00> : vector<4000x128xf32>
    %dot_general3A_125 = tpu.matmul %max3A_58, %get3A_123, %dot_general3A_124 {dimension_numbers = #tpu.dot_dimension_numbers<[1], [0], [0], [1], [0, 0, 1, 1], [], []>, transpose_lhs_hint = false} : vector<4000x256xf32>, vector<256x128xf32>, vector<4000x128xf32> -> vector<4000x128xf32>
    %slice3A_126 = vector.extract_strided_slice %dot_general3A_125 {offsets = [0, 0], sizes = [4000, 1], strides = [1, 1]} : vector<4000x128xf32> to vector<4000x1xf32>
    %slice3A_127 = vector.extract_strided_slice %get3A_96 {offsets = [2, 0], sizes = [1, 1], strides = [1, 1]} : vector<4x1xf32> to vector<1x1xf32>
    %add3A_128 = vector.broadcast %slice3A_127 : vector<1x1xf32> to vector<4000x1xf32>
    %add3A_129 = arith.addf %slice3A_126, %add3A_128 : vector<4000x1xf32>
    %get3A_130 = arith.constant 3 : index
    %get3A_131 = arith.constant 0 : index
    %get3A_132 = arith.constant 0 : index
    %get3A_133 = vector.load %arg6[%get3A_130, %get3A_131, %get3A_132] : memref<4x256x128xf32, #tpu.memory_space<vmem>>, vector<1x256x128xf32>
    %get3A_134 = vector.shape_cast %get3A_133 : vector<1x256x128xf32> to vector<256x128xf32>
    %dot_general3A_135 = arith.constant dense<0.000000e+00> : vector<4000x128xf32>
    %dot_general3A_136 = tpu.matmul %max3A_73, %get3A_134, %dot_general3A_135 {dimension_numbers = #tpu.dot_dimension_numbers<[1], [0], [0], [1], [0, 0, 1, 1], [], []>, transpose_lhs_hint = false} : vector<4000x256xf32>, vector<256x128xf32>, vector<4000x128xf32> -> vector<4000x128xf32>
    %slice3A_137 = vector.extract_strided_slice %dot_general3A_136 {offsets = [0, 0], sizes = [4000, 1], strides = [1, 1]} : vector<4000x128xf32> to vector<4000x1xf32>
    %slice3A_138 = vector.extract_strided_slice %get3A_96 {offsets = [3, 0], sizes = [1, 1], strides = [1, 1]} : vector<4x1xf32> to vector<1x1xf32>
    %add3A_139 = vector.broadcast %slice3A_138 : vector<1x1xf32> to vector<4000x1xf32>
    %add3A_140 = arith.addf %slice3A_137, %add3A_139 : vector<4000x1xf32>
    %slice3A_141 = vector.extract_strided_slice %add3A_85 {offsets = [0, 0], sizes = [4000, 1], strides = [1, 1]} : vector<4000x128xf32> to vector<4000x1xf32>
    %ge3A = arith.cmpf oge, %slice3A_141, %broadcast_in_dim3A_87 : vector<4000x1xf32>
    %slice3A_142 = vector.extract_strided_slice %add3A_85 {offsets = [0, 1], sizes = [4000, 1], strides = [1, 1]} : vector<4000x128xf32> to vector<4000x1xf32>
    %ge3A_143 = arith.cmpf oge, %slice3A_142, %broadcast_in_dim3A_87 : vector<4000x1xf32>
    %slice3A_144 = vector.extract_strided_slice %add3A_85 {offsets = [0, 2], sizes = [4000, 1], strides = [1, 1]} : vector<4000x128xf32> to vector<4000x1xf32>
    %ge3A_145 = arith.cmpf oge, %slice3A_144, %broadcast_in_dim3A_87 : vector<4000x1xf32>
    %select_n3A = arith.select %ge3A_145, %add3A_129, %add3A_140 : vector<4000x1xi1>, vector<4000x1xf32>
    %select_n3A_146 = arith.select %ge3A_143, %add3A_118, %select_n3A : vector<4000x1xi1>, vector<4000x1xf32>
    %select_n3A_147 = arith.select %ge3A, %add3A_107, %select_n3A_146 : vector<4000x1xi1>, vector<4000x1xf32>
    %mul3A_148 = arith.mulf %div3A_93, %select_n3A_147 : vector<4000x1xf32>
    %swap3A = arith.constant 0 : index
    %swap3A_149 = arith.constant 0 : index
    %swap3A_150 = vector.load %arg9[%swap3A, %swap3A_149] : memref<4000x1xf32, #tpu.memory_space<vmem>>, vector<4000x1xf32>
    tpu.vector_store %arg9[%swap3A, %swap3A_149], %mul3A_148 {strides = array<i32>} : memref<4000x1xf32, #tpu.memory_space<vmem>>, vector<4000x1xf32>,
    %eq3A = arith.constant 0 : i32
    %eq3A_151 = arith.cmpi eq, %arg0, %eq3A : i32
    %convert_element_type3A = arith.extui %eq3A_151 : i1 to i32
    %cond3A = arith.constant 0 : i32
    %cond3A_152 = arith.cmpi ne, %convert_element_type3A, %cond3A : i32
    scf.if %cond3A_152 {
      %get3A_170 = arith.constant 0 : index
      %get3A_171 = arith.constant 0 : index
      %get3A_172 = vector.load %arg8[%get3A_170, %get3A_171] : memref<1x128xf32, #tpu.memory_space<vmem>>, vector<1x128xf32>
      %swap3A_173 = arith.constant 0 : index
      %swap3A_174 = arith.constant 0 : index
      %swap3A_175 = vector.load %arg10[%swap3A_173, %swap3A_174] : memref<1x128xf32, #tpu.memory_space<vmem>>, vector<1x128xf32>
      tpu.vector_store %arg10[%swap3A_173, %swap3A_174], %get3A_172 {strides = array<i32>} : memref<1x128xf32, #tpu.memory_space<vmem>>, vector<1x128xf32>,
    } else {
    }
    %get3A_153 = arith.constant 0 : index
    %get3A_154 = arith.constant 0 : index
    %get3A_155 = vector.load %arg10[%get3A_153, %get3A_154] : memref<1x128xf32, #tpu.memory_space<vmem>>, vector<1x128xf32>
    %mul3A_156 = vector.broadcast %div3A_93 : vector<4000x1xf32> to vector<4000x128xf32>
    %mul3A_157 = arith.mulf %exp3A, %mul3A_156 : vector<4000x128xf32>
    %reduce_sum3A_158 = arith.constant dense<0.000000e+00> : vector<128xf32>
    %reduce_sum3A_159 = vector.multi_reduction <add>, %mul3A_157, %reduce_sum3A_158 [0] : vector<4000x128xf32> to vector<128xf32>
    %broadcast_in_dim3A_160 = vector.shape_cast %reduce_sum3A_159 : vector<128xf32> to vector<1x128xf32>
    %add3A_161 = arith.addf %get3A_155, %broadcast_in_dim3A_160 : vector<1x128xf32>
    %swap3A_162 = arith.constant 0 : index
    %swap3A_163 = arith.constant 0 : index
    %swap3A_164 = vector.load %arg10[%swap3A_162, %swap3A_163] : memref<1x128xf32, #tpu.memory_space<vmem>>, vector<1x128xf32>
    tpu.vector_store %arg10[%swap3A_162, %swap3A_163], %add3A_161 {strides = array<i32>} : memref<1x128xf32, #tpu.memory_space<vmem>>, vector<1x128xf32>,
    %eq3A_165 = arith.constant 15 : i32
    %eq3A_166 = arith.cmpi eq, %arg0, %eq3A_165 : i32
    %convert_element_type3A_167 = arith.extui %eq3A_166 : i1 to i32
    %cond3A_168 = arith.constant 0 : i32
    %cond3A_169 = arith.cmpi ne, %convert_element_type3A_167, %cond3A_168 : i32
    scf.if %cond3A_169 {
      %get3A_170 = arith.constant 0 : index
      %get3A_171 = arith.constant 0 : index
      %get3A_172 = vector.load %arg10[%get3A_170, %get3A_171] : memref<1x128xf32, #tpu.memory_space<vmem>>, vector<1x128xf32>
      %div3A_173 = arith.constant 3.200000e+05 : f32
      %div3A_174 = vector.broadcast %div3A_173 : f32 to vector<1x128xf32>
      %div3A_175 = arith.divf %get3A_172, %div3A_174 : vector<1x128xf32>
      %mul3A_176 = arith.mulf %div3A_175, %div3A_175 : vector<1x128xf32>
      %reduce_sum3A_177 = vector.shape_cast %mul3A_176 : vector<1x128xf32> to vector<1x1x128xf32>
      %reduce_sum3A_178 = arith.constant dense<0.000000e+00> : vector<1xf32>
      %reduce_sum3A_179 = vector.multi_reduction <add>, %reduce_sum3A_177, %reduce_sum3A_178 [1, 2] : vector<1x1x128xf32> to vector<1xf32>
      %reduce_sum3A_180 = vector.shape_cast %reduce_sum3A_179 : vector<1xf32> to vector<1x1x1xf32>
      %reduce_sum3A_181 = vector.extract %reduce_sum3A_180[0, 0, 0] : f32 from vector<1x1x1xf32>
      %mul3A_182 = arith.constant 4.000000e+00 : f32
      %mul3A_183 = arith.mulf %reduce_sum3A_181, %mul3A_182 : f32
      %reshape3A = vector.broadcast %mul3A_183 : f32 to vector<1x1xf32>
      %swap3A_184 = arith.constant 0 : index
      %swap3A_185 = arith.constant 0 : index
      %swap3A_186 = vector.load %arg11[%swap3A_184, %swap3A_185] : memref<1x1xf32, #tpu.memory_space<vmem>>, vector<1x1xf32>
      tpu.vector_store %arg11[%swap3A_184, %swap3A_185], %reshape3A {strides = array<i32>} : memref<1x1xf32, #tpu.memory_space<vmem>>, vector<1x1xf32>,
    } else {
    }
    return
  }
  func.func @transform_0(%arg0: i32) -> (i32, i32) {
    %c0_i32 = arith.constant 0 : i32
    %c0_i32_0 = arith.constant 0 : i32
    return %arg0, %c0_i32 : i32, i32
  }
  func.func @transform_1(%arg0: i32) -> (i32, i32) {
    %add3A = arith.constant 16 : i32
    %add3A_0 = arith.addi %arg0, %add3A : i32
    %c0_i32 = arith.constant 0 : i32
    %c0_i32_1 = arith.constant 0 : i32
    return %add3A_0, %c0_i32 : i32, i32
  }
  func.func @transform_2(%arg0: i32) -> (i32, i32, i32) {
    %c0_i32 = arith.constant 0 : i32
    %c0_i32_0 = arith.constant 0 : i32
    %c0_i32_1 = arith.constant 0 : i32
    %c0_i32_2 = arith.constant 0 : i32
    return %c0_i32, %c0_i32_0, %c0_i32_1 : i32, i32, i32
  }
  func.func @transform_3(%arg0: i32) -> (i32, i32) {
    %c0_i32 = arith.constant 0 : i32
    %c0_i32_0 = arith.constant 0 : i32
    %c0_i32_1 = arith.constant 0 : i32
    return %c0_i32, %c0_i32_0 : i32, i32
  }
  func.func @transform_4(%arg0: i32) -> (i32, i32) {
    %c0_i32 = arith.constant 0 : i32
    %c0_i32_0 = arith.constant 0 : i32
    %c0_i32_1 = arith.constant 0 : i32
    return %c0_i32, %c0_i32_0 : i32, i32
  }
  func.func @transform_5(%arg0: i32) -> (i32, i32, i32) {
    %c0_i32 = arith.constant 0 : i32
    %c0_i32_0 = arith.constant 0 : i32
    %c0_i32_1 = arith.constant 0 : i32
    %c0_i32_2 = arith.constant 0 : i32
    return %c0_i32, %c0_i32_0, %c0_i32_1 : i32, i32, i32
  }
  func.func @transform_6(%arg0: i32) -> (i32, i32) {
    %c0_i32 = arith.constant 0 : i32
    %c0_i32_0 = arith.constant 0 : i32
    %c0_i32_1 = arith.constant 0 : i32
    return %c0_i32, %c0_i32_0 : i32, i32
  }
  func.func @transform_7(%arg0: i32) -> (i32, i32) {
    %c0_i32 = arith.constant 0 : i32
    %c0_i32_0 = arith.constant 0 : i32
    %c0_i32_1 = arith.constant 0 : i32
    return %c0_i32, %c0_i32_0 : i32, i32
  }
  func.func @transform_8(%arg0: i32) -> (i32, i32) {
    %c0_i32 = arith.constant 0 : i32
    %c0_i32_0 = arith.constant 0 : i32
    return %arg0, %c0_i32 : i32, i32
  }
  func.func @transform_9(%arg0: i32) -> (i32, i32) {
    %c0_i32 = arith.constant 0 : i32
    %c0_i32_0 = arith.constant 0 : i32
    %c0_i32_1 = arith.constant 0 : i32
    return %c0_i32, %c0_i32_0 : i32, i32
  }
  func.func @transform_10(%arg0: i32) -> (i32, i32) {
    %c0_i32 = arith.constant 0 : i32
    %c0_i32_0 = arith.constant 0 : i32
    %c0_i32_1 = arith.constant 0 : i32
    return %c0_i32, %c0_i32_0 : i32, i32
  }
}

module attributes {stable_mosaic.version = 14 : i64} {
  func.func @_tc_body(%arg0: i32, %arg1: memref<4000x128xf32, #tpu.memory_space<vmem>>, %arg2: memref<4000x128xf32, #tpu.memory_space<vmem>>, %arg3: memref<4x128x640xf32, #tpu.memory_space<vmem>>, %arg4: memref<4x256xf32, #tpu.memory_space<vmem>>, %arg5: memref<1x128xf32, #tpu.memory_space<vmem>>, %arg6: memref<4x256x128xf32, #tpu.memory_space<vmem>>, %arg7: memref<4x1xf32, #tpu.memory_space<vmem>>, %arg8: memref<1x128xf32, #tpu.memory_space<vmem>>, %arg9: memref<4000x1xf32, #tpu.memory_space<vmem>>, %arg10: memref<1x128xf32, #tpu.memory_space<vmem>>, %arg11: memref<1x1xf32, #tpu.memory_space<vmem>>) attributes {dimension_semantics = [#tpu.dimension_semantics<arbitrary>], iteration_bounds = array<i64: 64>, scalar_prefetch = 0 : i64, scratch_operands = 0 : i64, tpu.core_type = #tpu.core_type<tc>, window_params = [{transform_indices = @transform_0, window_bounds = array<i64: 4000, 128>}, {transform_indices = @transform_1, window_bounds = array<i64: 4000, 128>}, {pipeline_mode = #tpu.pipeline_mode<synchronous>, transform_indices = @transform_2, window_bounds = array<i64: 4, 128, 640>}, {pipeline_mode = #tpu.pipeline_mode<synchronous>, transform_indices = @transform_3, window_bounds = array<i64: 4, 256>}, {pipeline_mode = #tpu.pipeline_mode<synchronous>, transform_indices = @transform_4, window_bounds = array<i64: 1, 128>}, {pipeline_mode = #tpu.pipeline_mode<synchronous>, transform_indices = @transform_5, window_bounds = array<i64: 4, 256, 128>}, {pipeline_mode = #tpu.pipeline_mode<synchronous>, transform_indices = @transform_6, window_bounds = array<i64: 4, 1>}, {pipeline_mode = #tpu.pipeline_mode<synchronous>, transform_indices = @transform_7, window_bounds = array<i64: 1, 128>}, {transform_indices = @transform_8, window_bounds = array<i64: 4000, 1>}, {pipeline_mode = #tpu.pipeline_mode<synchronous>, transform_indices = @transform_9, window_bounds = array<i64: 1, 128>}, {pipeline_mode = #tpu.pipeline_mode<synchronous>, transform_indices = @transform_10, window_bounds = array<i64: 1, 1>}]} {
    %get3A = arith.constant 0 : index
    %get3A_0 = arith.constant 0 : index
    %get3A_1 = vector.load %arg1[%get3A, %get3A_0] : memref<4000x128xf32, #tpu.memory_space<vmem>>, vector<4000x128xf32>
    %get3A_2 = arith.constant 0 : index
    %get3A_3 = arith.constant 0 : index
    %get3A_4 = vector.load %arg2[%get3A_2, %get3A_3] : memref<4000x128xf32, #tpu.memory_space<vmem>>, vector<4000x128xf32>
    %sub3A = arith.subf %get3A_1, %get3A_4 : vector<4000x128xf32>
    %abs3A = math.absf %sub3A : vector<4000x128xf32>
    %mul3A = arith.mulf %get3A_1, %get3A_4 : vector<4000x128xf32>
    %get3A_5 = arith.constant 0 : index
    %get3A_6 = arith.constant 0 : index
    %get3A_7 = arith.constant 0 : index
    %get3A_8 = vector.load %arg3[%get3A_5, %get3A_6, %get3A_7] : memref<4x128x640xf32, #tpu.memory_space<vmem>>, vector<1x128x640xf32>
    %get3A_9 = vector.shape_cast %get3A_8 : vector<1x128x640xf32> to vector<128x640xf32>
    %dot_general3A = arith.constant dense<0.000000e+00> : vector<4000x640xf32>
    %dot_general3A_10 = tpu.matmul %get3A_1, %get3A_9, %dot_general3A {dimension_numbers = #tpu.dot_dimension_numbers<[1], [0], [0], [1], [0, 0, 1, 1], [], []>, transpose_lhs_hint = false} : vector<4000x128xf32>, vector<128x640xf32>, vector<4000x640xf32> -> vector<4000x640xf32>
    %get3A_11 = arith.constant 1 : index
    %get3A_12 = arith.constant 0 : index
    %get3A_13 = arith.constant 0 : index
    %get3A_14 = vector.load %arg3[%get3A_11, %get3A_12, %get3A_13] : memref<4x128x640xf32, #tpu.memory_space<vmem>>, vector<1x128x640xf32>
    %get3A_15 = vector.shape_cast %get3A_14 : vector<1x128x640xf32> to vector<128x640xf32>
    %dot_general3A_16 = arith.constant dense<0.000000e+00> : vector<4000x640xf32>
    %dot_general3A_17 = tpu.matmul %get3A_4, %get3A_15, %dot_general3A_16 {dimension_numbers = #tpu.dot_dimension_numbers<[1], [0], [0], [1], [0, 0, 1, 1], [], []>, transpose_lhs_hint = false} : vector<4000x128xf32>, vector<128x640xf32>, vector<4000x640xf32> -> vector<4000x640xf32>
    %get3A_18 = arith.constant 2 : index
    %get3A_19 = arith.constant 0 : index
    %get3A_20 = arith.constant 0 : index
    %get3A_21 = vector.load %arg3[%get3A_18, %get3A_19, %get3A_20] : memref<4x128x640xf32, #tpu.memory_space<vmem>>, vector<1x128x640xf32>
    %get3A_22 = vector.shape_cast %get3A_21 : vector<1x128x640xf32> to vector<128x640xf32>
    %dot_general3A_23 = arith.constant dense<0.000000e+00> : vector<4000x640xf32>
    %dot_general3A_24 = tpu.matmul %abs3A, %get3A_22, %dot_general3A_23 {dimension_numbers = #tpu.dot_dimension_numbers<[1], [0], [0], [1], [0, 0, 1, 1], [], []>, transpose_lhs_hint = false} : vector<4000x128xf32>, vector<128x640xf32>, vector<4000x640xf32> -> vector<4000x640xf32>
    %get3A_25 = arith.constant 3 : index
    %get3A_26 = arith.constant 0 : index
    %get3A_27 = arith.constant 0 : index
    %get3A_28 = vector.load %arg3[%get3A_25, %get3A_26, %get3A_27] : memref<4x128x640xf32, #tpu.memory_space<vmem>>, vector<1x128x640xf32>
    %get3A_29 = vector.shape_cast %get3A_28 : vector<1x128x640xf32> to vector<128x640xf32>
    %dot_general3A_30 = arith.constant dense<0.000000e+00> : vector<4000x640xf32>
    %dot_general3A_31 = tpu.matmul %mul3A, %get3A_29, %dot_general3A_30 {dimension_numbers = #tpu.dot_dimension_numbers<[1], [0], [0], [1], [0, 0, 1, 1], [], []>, transpose_lhs_hint = false} : vector<4000x128xf32>, vector<128x640xf32>, vector<4000x640xf32> -> vector<4000x640xf32>
    %get3A_32 = arith.constant 0 : index
    %get3A_33 = arith.constant 0 : index
    %get3A_34 = vector.load %arg4[%get3A_32, %get3A_33] : memref<4x256xf32, #tpu.memory_space<vmem>>, vector<4x256xf32>
    %slice3A = vector.extract_strided_slice %dot_general3A_10 {offsets = [0, 0], sizes = [4000, 256], strides = [1, 1]} : vector<4000x640xf32> to vector<4000x256xf32>
    %slice3A_35 = vector.extract_strided_slice %dot_general3A_17 {offsets = [0, 0], sizes = [4000, 256], strides = [1, 1]} : vector<4000x640xf32> to vector<4000x256xf32>
    %add3A = arith.addf %slice3A, %slice3A_35 : vector<4000x256xf32>
    %slice3A_36 = vector.extract_strided_slice %get3A_34 {offsets = [0, 0], sizes = [1, 256], strides = [1, 1]} : vector<4x256xf32> to vector<1x256xf32>
    %squeeze3A = vector.shape_cast %slice3A_36 : vector<1x256xf32> to vector<256xf32>
    %broadcast_in_dim3A = vector.shape_cast %squeeze3A : vector<256xf32> to vector<1x256xf32>
    %add3A_37 = vector.broadcast %broadcast_in_dim3A : vector<1x256xf32> to vector<4000x256xf32>
    %add3A_38 = arith.addf %add3A, %add3A_37 : vector<4000x256xf32>
    %max3A = arith.constant 0.000000e+00 : f32
    %max3A_39 = vector.broadcast %max3A : f32 to vector<4000x256xf32>
    %max3A_40 = arith.maximumf %add3A_38, %max3A_39 : vector<4000x256xf32>
    %slice3A_41 = vector.extract_strided_slice %dot_general3A_24 {offsets = [0, 0], sizes = [4000, 256], strides = [1, 1]} : vector<4000x640xf32> to vector<4000x256xf32>
    %slice3A_42 = vector.extract_strided_slice %get3A_34 {offsets = [1, 0], sizes = [1, 256], strides = [1, 1]} : vector<4x256xf32> to vector<1x256xf32>
    %squeeze3A_43 = vector.shape_cast %slice3A_42 : vector<1x256xf32> to vector<256xf32>
    %broadcast_in_dim3A_44 = vector.shape_cast %squeeze3A_43 : vector<256xf32> to vector<1x256xf32>
    %add3A_45 = vector.broadcast %broadcast_in_dim3A_44 : vector<1x256xf32> to vector<4000x256xf32>
    %add3A_46 = arith.addf %slice3A_41, %add3A_45 : vector<4000x256xf32>
    %max3A_47 = arith.constant 0.000000e+00 : f32
    %max3A_48 = vector.broadcast %max3A_47 : f32 to vector<4000x256xf32>
    %max3A_49 = arith.maximumf %add3A_46, %max3A_48 : vector<4000x256xf32>
    %slice3A_50 = vector.extract_strided_slice %dot_general3A_31 {offsets = [0, 0], sizes = [4000, 256], strides = [1, 1]} : vector<4000x640xf32> to vector<4000x256xf32>
    %slice3A_51 = vector.extract_strided_slice %get3A_34 {offsets = [2, 0], sizes = [1, 256], strides = [1, 1]} : vector<4x256xf32> to vector<1x256xf32>
    %squeeze3A_52 = vector.shape_cast %slice3A_51 : vector<1x256xf32> to vector<256xf32>
    %broadcast_in_dim3A_53 = vector.shape_cast %squeeze3A_52 : vector<256xf32> to vector<1x256xf32>
    %add3A_54 = vector.broadcast %broadcast_in_dim3A_53 : vector<1x256xf32> to vector<4000x256xf32>
    %add3A_55 = arith.addf %slice3A_50, %add3A_54 : vector<4000x256xf32>
    %max3A_56 = arith.constant 0.000000e+00 : f32
    %max3A_57 = vector.broadcast %max3A_56 : f32 to vector<4000x256xf32>
    %max3A_58 = arith.maximumf %add3A_55, %max3A_57 : vector<4000x256xf32>
    %slice3A_59 = vector.extract_strided_slice %dot_general3A_10 {offsets = [0, 256], sizes = [4000, 256], strides = [1, 1]} : vector<4000x640xf32> to vector<4000x256xf32>
    %slice3A_60 = vector.extract_strided_slice %dot_general3A_17 {offsets = [0, 256], sizes = [4000, 256], strides = [1, 1]} : vector<4000x640xf32> to vector<4000x256xf32>
    %add3A_61 = arith.addf %slice3A_59, %slice3A_60 : vector<4000x256xf32>
    %slice3A_62 = vector.extract_strided_slice %dot_general3A_24 {offsets = [0, 256], sizes = [4000, 256], strides = [1, 1]} : vector<4000x640xf32> to vector<4000x256xf32>
    %slice3A_63 = vector.extract_strided_slice %dot_general3A_31 {offsets = [0, 256], sizes = [4000, 256], strides = [1, 1]} : vector<4000x640xf32> to vector<4000x256xf32>
    %add3A_64 = arith.addf %slice3A_62, %slice3A_63 : vector<4000x256xf32>
    %add3A_65 = arith.addf %add3A_61, %add3A_64 : vector<4000x256xf32>
    %slice3A_66 = vector.extract_strided_slice %get3A_34 {offsets = [3, 0], sizes = [1, 256], strides = [1, 1]} : vector<4x256xf32> to vector<1x256xf32>
    %squeeze3A_67 = vector.shape_cast %slice3A_66 : vector<1x256xf32> to vector<256xf32>
    %broadcast_in_dim3A_68 = vector.shape_cast %squeeze3A_67 : vector<256xf32> to vector<1x256xf32>
    %add3A_69 = vector.broadcast %broadcast_in_dim3A_68 : vector<1x256xf32> to vector<4000x256xf32>
    %add3A_70 = arith.addf %add3A_65, %add3A_69 : vector<4000x256xf32>
    %max3A_71 = arith.constant 0.000000e+00 : f32
    %max3A_72 = vector.broadcast %max3A_71 : f32 to vector<4000x256xf32>
    %max3A_73 = arith.maximumf %add3A_70, %max3A_72 : vector<4000x256xf32>
    %slice3A_74 = vector.extract_strided_slice %dot_general3A_10 {offsets = [0, 512], sizes = [4000, 128], strides = [1, 1]} : vector<4000x640xf32> to vector<4000x128xf32>
    %slice3A_75 = vector.extract_strided_slice %dot_general3A_17 {offsets = [0, 512], sizes = [4000, 128], strides = [1, 1]} : vector<4000x640xf32> to vector<4000x128xf32>
    %add3A_76 = arith.addf %slice3A_74, %slice3A_75 : vector<4000x128xf32>
    %slice3A_77 = vector.extract_strided_slice %dot_general3A_24 {offsets = [0, 512], sizes = [4000, 128], strides = [1, 1]} : vector<4000x640xf32> to vector<4000x128xf32>
    %slice3A_78 = vector.extract_strided_slice %dot_general3A_31 {offsets = [0, 512], sizes = [4000, 128], strides = [1, 1]} : vector<4000x640xf32> to vector<4000x128xf32>
    %add3A_79 = arith.addf %slice3A_77, %slice3A_78 : vector<4000x128xf32>
    %add3A_80 = arith.addf %add3A_76, %add3A_79 : vector<4000x128xf32>
    %get3A_81 = arith.constant 0 : index
    %get3A_82 = arith.constant 0 : index
    %get3A_83 = vector.load %arg5[%get3A_81, %get3A_82] : memref<1x128xf32, #tpu.memory_space<vmem>>, vector<1x128xf32>
    %add3A_84 = vector.broadcast %get3A_83 : vector<1x128xf32> to vector<4000x128xf32>
    %add3A_85 = arith.addf %add3A_80, %add3A_84 : vector<4000x128xf32>
    %reduce_max3A = arith.constant dense<0xFF800000> : vector<4000xf32>
    %reduce_max3A_86 = vector.multi_reduction <maximumf>, %add3A_85, %reduce_max3A [1] : vector<4000x128xf32> to vector<4000xf32>
    %broadcast_in_dim3A_87 = vector.shape_cast %reduce_max3A_86 : vector<4000xf32> to vector<4000x1xf32>
    %sub3A_88 = vector.broadcast %broadcast_in_dim3A_87 : vector<4000x1xf32> to vector<4000x128xf32>
    %sub3A_89 = arith.subf %add3A_85, %sub3A_88 : vector<4000x128xf32>
    %exp3A = math.exp %sub3A_89 : vector<4000x128xf32>
    %reduce_sum3A = arith.constant dense<0.000000e+00> : vector<4000xf32>
    %reduce_sum3A_90 = vector.multi_reduction <add>, %exp3A, %reduce_sum3A [1] : vector<4000x128xf32> to vector<4000xf32>
    %broadcast_in_dim3A_91 = vector.shape_cast %reduce_sum3A_90 : vector<4000xf32> to vector<4000x1xf32>
    %div3A = arith.constant 1.000000e+00 : f32
    %div3A_92 = vector.broadcast %div3A : f32 to vector<4000x1xf32>
    %div3A_93 = arith.divf %div3A_92, %broadcast_in_dim3A_91 : vector<4000x1xf32>
    %get3A_94 = arith.constant 0 : index
    %get3A_95 = arith.constant 0 : index
    %get3A_96 = vector.load %arg7[%get3A_94, %get3A_95] : memref<4x1xf32, #tpu.memory_space<vmem>>, vector<4x1xf32>
    %get3A_97 = arith.constant 0 : index
    %get3A_98 = arith.constant 0 : index
    %get3A_99 = arith.constant 0 : index
    %get3A_100 = vector.load %arg6[%get3A_97, %get3A_98, %get3A_99] : memref<4x256x128xf32, #tpu.memory_space<vmem>>, vector<1x256x128xf32>
    %get3A_101 = vector.shape_cast %get3A_100 : vector<1x256x128xf32> to vector<256x128xf32>
    %dot_general3A_102 = arith.constant dense<0.000000e+00> : vector<4000x128xf32>
    %dot_general3A_103 = tpu.matmul %max3A_40, %get3A_101, %dot_general3A_102 {dimension_numbers = #tpu.dot_dimension_numbers<[1], [0], [0], [1], [0, 0, 1, 1], [], []>, transpose_lhs_hint = false} : vector<4000x256xf32>, vector<256x128xf32>, vector<4000x128xf32> -> vector<4000x128xf32>
    %slice3A_104 = vector.extract_strided_slice %dot_general3A_103 {offsets = [0, 0], sizes = [4000, 1], strides = [1, 1]} : vector<4000x128xf32> to vector<4000x1xf32>
    %slice3A_105 = vector.extract_strided_slice %get3A_96 {offsets = [0, 0], sizes = [1, 1], strides = [1, 1]} : vector<4x1xf32> to vector<1x1xf32>
    %add3A_106 = vector.broadcast %slice3A_105 : vector<1x1xf32> to vector<4000x1xf32>
    %add3A_107 = arith.addf %slice3A_104, %add3A_106 : vector<4000x1xf32>
    %get3A_108 = arith.constant 1 : index
    %get3A_109 = arith.constant 0 : index
    %get3A_110 = arith.constant 0 : index
    %get3A_111 = vector.load %arg6[%get3A_108, %get3A_109, %get3A_110] : memref<4x256x128xf32, #tpu.memory_space<vmem>>, vector<1x256x128xf32>
    %get3A_112 = vector.shape_cast %get3A_111 : vector<1x256x128xf32> to vector<256x128xf32>
    %dot_general3A_113 = arith.constant dense<0.000000e+00> : vector<4000x128xf32>
    %dot_general3A_114 = tpu.matmul %max3A_49, %get3A_112, %dot_general3A_113 {dimension_numbers = #tpu.dot_dimension_numbers<[1], [0], [0], [1], [0, 0, 1, 1], [], []>, transpose_lhs_hint = false} : vector<4000x256xf32>, vector<256x128xf32>, vector<4000x128xf32> -> vector<4000x128xf32>
    %slice3A_115 = vector.extract_strided_slice %dot_general3A_114 {offsets = [0, 0], sizes = [4000, 1], strides = [1, 1]} : vector<4000x128xf32> to vector<4000x1xf32>
    %slice3A_116 = vector.extract_strided_slice %get3A_96 {offsets = [1, 0], sizes = [1, 1], strides = [1, 1]} : vector<4x1xf32> to vector<1x1xf32>
    %add3A_117 = vector.broadcast %slice3A_116 : vector<1x1xf32> to vector<4000x1xf32>
    %add3A_118 = arith.addf %slice3A_115, %add3A_117 : vector<4000x1xf32>
    %get3A_119 = arith.constant 2 : index
    %get3A_120 = arith.constant 0 : index
    %get3A_121 = arith.constant 0 : index
    %get3A_122 = vector.load %arg6[%get3A_119, %get3A_120, %get3A_121] : memref<4x256x128xf32, #tpu.memory_space<vmem>>, vector<1x256x128xf32>
    %get3A_123 = vector.shape_cast %get3A_122 : vector<1x256x128xf32> to vector<256x128xf32>
    %dot_general3A_124 = arith.constant dense<0.000000e+00> : vector<4000x128xf32>
    %dot_general3A_125 = tpu.matmul %max3A_58, %get3A_123, %dot_general3A_124 {dimension_numbers = #tpu.dot_dimension_numbers<[1], [0], [0], [1], [0, 0, 1, 1], [], []>, transpose_lhs_hint = false} : vector<4000x256xf32>, vector<256x128xf32>, vector<4000x128xf32> -> vector<4000x128xf32>
    %slice3A_126 = vector.extract_strided_slice %dot_general3A_125 {offsets = [0, 0], sizes = [4000, 1], strides = [1, 1]} : vector<4000x128xf32> to vector<4000x1xf32>
    %slice3A_127 = vector.extract_strided_slice %get3A_96 {offsets = [2, 0], sizes = [1, 1], strides = [1, 1]} : vector<4x1xf32> to vector<1x1xf32>
    %add3A_128 = vector.broadcast %slice3A_127 : vector<1x1xf32> to vector<4000x1xf32>
    %add3A_129 = arith.addf %slice3A_126, %add3A_128 : vector<4000x1xf32>
    %get3A_130 = arith.constant 3 : index
    %get3A_131 = arith.constant 0 : index
    %get3A_132 = arith.constant 0 : index
    %get3A_133 = vector.load %arg6[%get3A_130, %get3A_131, %get3A_132] : memref<4x256x128xf32, #tpu.memory_space<vmem>>, vector<1x256x128xf32>
    %get3A_134 = vector.shape_cast %get3A_133 : vector<1x256x128xf32> to vector<256x128xf32>
    %dot_general3A_135 = arith.constant dense<0.000000e+00> : vector<4000x128xf32>
    %dot_general3A_136 = tpu.matmul %max3A_73, %get3A_134, %dot_general3A_135 {dimension_numbers = #tpu.dot_dimension_numbers<[1], [0], [0], [1], [0, 0, 1, 1], [], []>, transpose_lhs_hint = false} : vector<4000x256xf32>, vector<256x128xf32>, vector<4000x128xf32> -> vector<4000x128xf32>
    %slice3A_137 = vector.extract_strided_slice %dot_general3A_136 {offsets = [0, 0], sizes = [4000, 1], strides = [1, 1]} : vector<4000x128xf32> to vector<4000x1xf32>
    %slice3A_138 = vector.extract_strided_slice %get3A_96 {offsets = [3, 0], sizes = [1, 1], strides = [1, 1]} : vector<4x1xf32> to vector<1x1xf32>
    %add3A_139 = vector.broadcast %slice3A_138 : vector<1x1xf32> to vector<4000x1xf32>
    %add3A_140 = arith.addf %slice3A_137, %add3A_139 : vector<4000x1xf32>
    %slice3A_141 = vector.extract_strided_slice %add3A_85 {offsets = [0, 0], sizes = [4000, 1], strides = [1, 1]} : vector<4000x128xf32> to vector<4000x1xf32>
    %ge3A = arith.cmpf oge, %slice3A_141, %broadcast_in_dim3A_87 : vector<4000x1xf32>
    %slice3A_142 = vector.extract_strided_slice %add3A_85 {offsets = [0, 1], sizes = [4000, 1], strides = [1, 1]} : vector<4000x128xf32> to vector<4000x1xf32>
    %ge3A_143 = arith.cmpf oge, %slice3A_142, %broadcast_in_dim3A_87 : vector<4000x1xf32>
    %slice3A_144 = vector.extract_strided_slice %add3A_85 {offsets = [0, 2], sizes = [4000, 1], strides = [1, 1]} : vector<4000x128xf32> to vector<4000x1xf32>
    %ge3A_145 = arith.cmpf oge, %slice3A_144, %broadcast_in_dim3A_87 : vector<4000x1xf32>
    %select_n3A = arith.select %ge3A_145, %add3A_129, %add3A_140 : vector<4000x1xi1>, vector<4000x1xf32>
    %select_n3A_146 = arith.select %ge3A_143, %add3A_118, %select_n3A : vector<4000x1xi1>, vector<4000x1xf32>
    %select_n3A_147 = arith.select %ge3A, %add3A_107, %select_n3A_146 : vector<4000x1xi1>, vector<4000x1xf32>
    %mul3A_148 = arith.mulf %div3A_93, %select_n3A_147 : vector<4000x1xf32>
    %swap3A = arith.constant 0 : index
    %swap3A_149 = arith.constant 0 : index
    %swap3A_150 = vector.load %arg9[%swap3A, %swap3A_149] : memref<4000x1xf32, #tpu.memory_space<vmem>>, vector<4000x1xf32>
    tpu.vector_store %arg9[%swap3A, %swap3A_149], %mul3A_148 {strides = array<i32>} : memref<4000x1xf32, #tpu.memory_space<vmem>>, vector<4000x1xf32>,
    %eq3A = arith.constant 0 : i32
    %eq3A_151 = arith.cmpi eq, %arg0, %eq3A : i32
    %convert_element_type3A = arith.extui %eq3A_151 : i1 to i32
    %cond3A = arith.constant 0 : i32
    %cond3A_152 = arith.cmpi ne, %convert_element_type3A, %cond3A : i32
    scf.if %cond3A_152 {
      %get3A_170 = arith.constant 0 : index
      %get3A_171 = arith.constant 0 : index
      %get3A_172 = vector.load %arg8[%get3A_170, %get3A_171] : memref<1x128xf32, #tpu.memory_space<vmem>>, vector<1x128xf32>
      %swap3A_173 = arith.constant 0 : index
      %swap3A_174 = arith.constant 0 : index
      %swap3A_175 = vector.load %arg10[%swap3A_173, %swap3A_174] : memref<1x128xf32, #tpu.memory_space<vmem>>, vector<1x128xf32>
      tpu.vector_store %arg10[%swap3A_173, %swap3A_174], %get3A_172 {strides = array<i32>} : memref<1x128xf32, #tpu.memory_space<vmem>>, vector<1x128xf32>,
    } else {
    }
    %get3A_153 = arith.constant 0 : index
    %get3A_154 = arith.constant 0 : index
    %get3A_155 = vector.load %arg10[%get3A_153, %get3A_154] : memref<1x128xf32, #tpu.memory_space<vmem>>, vector<1x128xf32>
    %mul3A_156 = vector.broadcast %div3A_93 : vector<4000x1xf32> to vector<4000x128xf32>
    %mul3A_157 = arith.mulf %exp3A, %mul3A_156 : vector<4000x128xf32>
    %reduce_sum3A_158 = arith.constant dense<0.000000e+00> : vector<128xf32>
    %reduce_sum3A_159 = vector.multi_reduction <add>, %mul3A_157, %reduce_sum3A_158 [0] : vector<4000x128xf32> to vector<128xf32>
    %broadcast_in_dim3A_160 = vector.shape_cast %reduce_sum3A_159 : vector<128xf32> to vector<1x128xf32>
    %add3A_161 = arith.addf %get3A_155, %broadcast_in_dim3A_160 : vector<1x128xf32>
    %swap3A_162 = arith.constant 0 : index
    %swap3A_163 = arith.constant 0 : index
    %swap3A_164 = vector.load %arg10[%swap3A_162, %swap3A_163] : memref<1x128xf32, #tpu.memory_space<vmem>>, vector<1x128xf32>
    tpu.vector_store %arg10[%swap3A_162, %swap3A_163], %add3A_161 {strides = array<i32>} : memref<1x128xf32, #tpu.memory_space<vmem>>, vector<1x128xf32>,
    %eq3A_165 = arith.constant 63 : i32
    %eq3A_166 = arith.cmpi eq, %arg0, %eq3A_165 : i32
    %convert_element_type3A_167 = arith.extui %eq3A_166 : i1 to i32
    %cond3A_168 = arith.constant 0 : i32
    %cond3A_169 = arith.cmpi ne, %convert_element_type3A_167, %cond3A_168 : i32
    scf.if %cond3A_169 {
      %get3A_170 = arith.constant 0 : index
      %get3A_171 = arith.constant 0 : index
      %get3A_172 = vector.load %arg10[%get3A_170, %get3A_171] : memref<1x128xf32, #tpu.memory_space<vmem>>, vector<1x128xf32>
      %div3A_173 = arith.constant 3.200000e+05 : f32
      %div3A_174 = vector.broadcast %div3A_173 : f32 to vector<1x128xf32>
      %div3A_175 = arith.divf %get3A_172, %div3A_174 : vector<1x128xf32>
      %mul3A_176 = arith.mulf %div3A_175, %div3A_175 : vector<1x128xf32>
      %reduce_sum3A_177 = vector.shape_cast %mul3A_176 : vector<1x128xf32> to vector<1x1x128xf32>
      %reduce_sum3A_178 = arith.constant dense<0.000000e+00> : vector<1xf32>
      %reduce_sum3A_179 = vector.multi_reduction <add>, %reduce_sum3A_177, %reduce_sum3A_178 [1, 2] : vector<1x1x128xf32> to vector<1xf32>
      %reduce_sum3A_180 = vector.shape_cast %reduce_sum3A_179 : vector<1xf32> to vector<1x1x1xf32>
      %reduce_sum3A_181 = vector.extract %reduce_sum3A_180[0, 0, 0] : f32 from vector<1x1x1xf32>
      %mul3A_182 = arith.constant 4.000000e+00 : f32
      %mul3A_183 = arith.mulf %reduce_sum3A_181, %mul3A_182 : f32
      %reshape3A = vector.broadcast %mul3A_183 : f32 to vector<1x1xf32>
      %swap3A_184 = arith.constant 0 : index
      %swap3A_185 = arith.constant 0 : index
      %swap3A_186 = vector.load %arg11[%swap3A_184, %swap3A_185] : memref<1x1xf32, #tpu.memory_space<vmem>>, vector<1x1xf32>
      tpu.vector_store %arg11[%swap3A_184, %swap3A_185], %reshape3A {strides = array<i32>} : memref<1x1xf32, #tpu.memory_space<vmem>>, vector<1x1xf32>,
    } else {
    }
    return
  }
  func.func @transform_0(%arg0: i32) -> (i32, i32) {
    %c0_i32 = arith.constant 0 : i32
    %c0_i32_0 = arith.constant 0 : i32
    return %arg0, %c0_i32 : i32, i32
  }
  func.func @transform_1(%arg0: i32) -> (i32, i32) {
    %add3A = arith.constant 64 : i32
    %add3A_0 = arith.addi %arg0, %add3A : i32
    %c0_i32 = arith.constant 0 : i32
    %c0_i32_1 = arith.constant 0 : i32
    return %add3A_0, %c0_i32 : i32, i32
  }
  func.func @transform_2(%arg0: i32) -> (i32, i32, i32) {
    %c0_i32 = arith.constant 0 : i32
    %c0_i32_0 = arith.constant 0 : i32
    %c0_i32_1 = arith.constant 0 : i32
    %c0_i32_2 = arith.constant 0 : i32
    return %c0_i32, %c0_i32_0, %c0_i32_1 : i32, i32, i32
  }
  func.func @transform_3(%arg0: i32) -> (i32, i32) {
    %c0_i32 = arith.constant 0 : i32
    %c0_i32_0 = arith.constant 0 : i32
    %c0_i32_1 = arith.constant 0 : i32
    return %c0_i32, %c0_i32_0 : i32, i32
  }
  func.func @transform_4(%arg0: i32) -> (i32, i32) {
    %c0_i32 = arith.constant 0 : i32
    %c0_i32_0 = arith.constant 0 : i32
    %c0_i32_1 = arith.constant 0 : i32
    return %c0_i32, %c0_i32_0 : i32, i32
  }
  func.func @transform_5(%arg0: i32) -> (i32, i32, i32) {
    %c0_i32 = arith.constant 0 : i32
    %c0_i32_0 = arith.constant 0 : i32
    %c0_i32_1 = arith.constant 0 : i32
    %c0_i32_2 = arith.constant 0 : i32
    return %c0_i32, %c0_i32_0, %c0_i32_1 : i32, i32, i32
  }
  func.func @transform_6(%arg0: i32) -> (i32, i32) {
    %c0_i32 = arith.constant 0 : i32
    %c0_i32_0 = arith.constant 0 : i32
    %c0_i32_1 = arith.constant 0 : i32
    return %c0_i32, %c0_i32_0 : i32, i32
  }
  func.func @transform_7(%arg0: i32) -> (i32, i32) {
    %c0_i32 = arith.constant 0 : i32
    %c0_i32_0 = arith.constant 0 : i32
    %c0_i32_1 = arith.constant 0 : i32
    return %c0_i32, %c0_i32_0 : i32, i32
  }
  func.func @transform_8(%arg0: i32) -> (i32, i32) {
    %c0_i32 = arith.constant 0 : i32
    %c0_i32_0 = arith.constant 0 : i32
    return %arg0, %c0_i32 : i32, i32
  }
  func.func @transform_9(%arg0: i32) -> (i32, i32) {
    %c0_i32 = arith.constant 0 : i32
    %c0_i32_0 = arith.constant 0 : i32
    %c0_i32_1 = arith.constant 0 : i32
    return %c0_i32, %c0_i32_0 : i32, i32
  }
  func.func @transform_10(%arg0: i32) -> (i32, i32) {
    %c0_i32 = arith.constant 0 : i32
    %c0_i32_0 = arith.constant 0 : i32
    %c0_i32_1 = arith.constant 0 : i32
    return %c0_i32, %c0_i32_0 : i32, i32
  }
}

</mosaic_0001>

<sc_bundles>
// kernel: kernel.6.cloned.1.call-start
scs
__scs_entry_jumppad:
0x0: {  	(pc) =	sbr.rel $0x88, $3  }
0x1: {  	(tag) =	ssettag $0x0;
	lr =	simm.s32 $0x1  }
0x2: {  	[smem:$0x3F8D] =	sst lr;
	_ =	strace $0xD0000000  }
0x3: {  	_ = 	snop  }
0x4: {  	_ = 	snop  }
0x5: {  	_ = 	snop  }
0x6: {  	_ = 	snop  }
0x7: {  	_ = 	snop  }
__scs_overlays_trampoline_lowered:
0x8: {  	[smem:$0x3F9C] =	sst s0  }
0x9: {  	[smem:$0x3F9D] =	sst s1  }
0xa: {  	[smem:$0x3F9E] =	sst s2  }
0xb: {  	[smem:$0x3F9F] =	sst s3  }
0xc: {  	[smem:$0x3FA0] =	sst s4  }
0xd: {  	[smem:$0x3FA1] =	sst s5  }
0xe: {  	[smem:$0x3FA2] =	sst s6  }
0xf: {  	[smem:$0x3FA3] =	sst s7  }
0x10: {  	[smem:$0x3FA4] =	sst s8  }
0x11: {  	[smem:$0x3FA5] =	sst s9;
	s0 =	simm.s32 @!p0 $0x0  }
0x12: {  	s1 =	sld [smem:$0x3F8B];
	s0 =	simm.s32 @p0 $0x1  }
0x13: {  	[smem:$0x3FA6] =	sst s0;
	s0 =	simm.s32 @!p1 $0x0  }
0x14: {  	s2 =	sld [smem:$0x3F8A];
	s0 =	simm.s32 @p1 $0x1  }
0x15: {  	[smem:$0x3FA7] =	sst s0;
	s0 =	simm.s32 @!p2 $0x0  }
0x16: {  	s3 =	sld [smem:$0x3FDB];
	s0 =	simm.s32 @p2 $0x1  }
0x17: {  	s4 =	simm.s32 $0x1BF5;
	[smem:$0x3FA9] =	sst s0  }
0x18: {  	s0 =	sld [smem:$0x3F8C];
	_ =	swait.ge [sflag:s4], $0x0  }
0x19: {  	s7 =	sld [smem:$0x3F8D]  }
0x1a: {  	s8 =	sadd.s32 $0xFFFFE003, lr  }
0x1b: {  	s9 =	sadd.s32 $0xFFFFFEF7, lr;
	s5 =	simm.s32 $0xFFFFFFFF;
	p2 =	slt.u32 s8, $0xFFFFF086  }
0x1c: {  	p1 =	slt.u32 s9, $0xF7A;
	s5 =	simm.s32 @!p2 $0x0  }
0x1d: {  	s5 =	simm.s32 @p1 $0x1;
	p0 =	seq.s32 s7, s2  }
0x1e: {  	s7 =	smul.u32 @!p0 $0xF7A, s2;
	p2 =	seq.s32 @!p0 s5, $0x0  }
0x1f: {  	s9 =	smul.u32 $0xF7A, s1;
	s8 =	simm.s32 @!p0 $0x1BF5;
	p2 =	por !p2, p0  }
0x20: {  	[sflag:s8] =	ssyncset.s32 @!p0 $0xFFFFF086;
	s6 =	sadd.s32 @!p0 s3, s7;
	s7 =	simm.s32 @!p0 $0x108  }
0x21: {  	s3 =	sadd.s32 s3, s9;
	s6 =	sadd.s32 @!p0 $0x88, s6;
	s7 =	simm.s32 @p2 $0x1082  }
0x22: {  	[simem:s7], [sflag:s8] =	dma.local @!p0 [hbm:s6], $0xF7A  }
0x23: {  	s9 =	sor.u32 $0xD0000000, s2;
	s6 =	simm.s32 $0x108;
	_ =	swait.ge @!p0 [sflag:s8], $0x0  }
0x24: {  	s3 =	sadd.s32 $0x88, s3;
	s6 =	simm.s32 @!p1 $0x1082;
	[sflag:s4] =	ssyncset.s32 $0xFFFFF086  }
0x25: {  	[simem:s6], [sflag:s4] =	dma.local [hbm:s3], $0xF7A  }
0x26: {  	[smem:$0x3F8D] =	sst s1;
	(tag) =	ssettag s2;
	_ =	strace s9  }
0x27: {  	s1 =	sld [smem:$0x3F9D]  }
0x28: {  	s2 =	sld [smem:$0x3F9E]  }
0x29: {  	s4 =	sld [smem:$0x3FA0]  }
0x2a: {  	p0 =	seq.s32 s5, $0x0;
	s5 =	sld [smem:$0x3FA1]  }
0x2b: {  	s6 =	sld [smem:$0x3FA2]  }
0x2c: {  	s7 =	sld [smem:$0x3FA3]  }
0x2d: {  	s3 =	simm.s32 $0x108;
	s8 =	sld [smem:$0x3FA4]  }
0x2e: {  	s3 =	simm.s32 @!p0 $0x1082;
	s9 =	sld [smem:$0x3FA5]  }
0x2f: {  	lr =	sadd.s32 s0, s3;
	s0 =	sld [smem:$0x3F9C]  }
0x30: {  	s3 =	sld [smem:$0x3F9F]  }
0x31: {  	[smem:$0x3FA8] =	sst s10  }
0x32: {  	s10 =	sld [smem:$0x3FA6];
	_ =	sdelay $0x3  }
0x33: {  	p0 =	seq.s32 s10, $0x1;
	s10 =	sld [smem:$0x3FA8];
	_ =	sdelay $0x3  }
0x34: {  	[smem:$0x3FA8] =	sst s10  }
0x35: {  	s10 =	sld [smem:$0x3FA7];
	_ =	sdelay $0x3  }
0x36: {  	p1 =	seq.s32 s10, $0x1;
	s10 =	sld [smem:$0x3FA8];
	_ =	sdelay $0x3  }
0x37: {  	[smem:$0x3FA8] =	sst s10  }
0x38: {  	s10 =	sld [smem:$0x3FA9]  }
0x39: {  	_ = 	snop;
	(pc) =	sbr.ind lr, $3  }
0x3a: {  	_ = 	snop  }
0x3b: {  	_ = 	snop  }
0x3c: {  	p2 =	seq.s32 s10, $0x1;
	s10 =	sld [smem:$0x3FA8]  }
0x3d: {  	_ =	shalt  }
0x3e: {  	_ =	shalt  }
0x3f: {  	_ =	shalt  }
0x40: {  	_ =	shalt  }
0x41: {  	_ =	shalt  }
0x42: {  	_ =	shalt  }
0x43: {  	_ =	shalt  }
0x44: {  	_ =	shalt  }
0x45: {  	_ =	shalt  }
0x46: {  	_ =	shalt  }
0x47: {  	_ =	shalt  }
0x48: {  	_ =	shalt  }
0x49: {  	_ =	shalt  }
0x4a: {  	_ =	shalt  }
0x4b: {  	_ =	shalt  }
0x4c: {  	_ =	shalt  }
0x4d: {  	_ =	shalt  }
0x4e: {  	_ =	shalt  }
0x4f: {  	_ =	shalt  }
0x50: {  	_ =	shalt  }
0x51: {  	_ =	shalt  }
0x52: {  	_ =	shalt  }
0x53: {  	_ =	shalt  }
0x54: {  	_ =	shalt  }
0x55: {  	_ =	shalt  }
0x56: {  	_ =	shalt  }
0x57: {  	_ =	shalt  }
0x58: {  	_ =	shalt  }
0x59: {  	_ =	shalt  }
0x5a: {  	_ =	shalt  }
0x5b: {  	_ =	shalt  }
0x5c: {  	_ =	shalt  }
0x5d: {  	_ =	shalt  }
0x5e: {  	_ =	shalt  }
0x5f: {  	_ =	shalt  }
0x60: {  	_ =	shalt  }
0x61: {  	_ =	shalt  }
0x62: {  	_ =	shalt  }
0x63: {  	_ =	shalt  }
0x64: {  	_ =	shalt  }
0x65: {  	_ =	shalt  }
0x66: {  	_ =	shalt  }
0x67: {  	_ =	shalt  }
0x68: {  	_ =	shalt  }
0x69: {  	_ =	shalt  }
0x6a: {  	_ =	shalt  }
0x6b: {  	_ =	shalt  }
0x6c: {  	_ =	shalt  }
0x6d: {  	_ =	shalt  }
0x6e: {  	_ =	shalt  }
0x6f: {  	_ =	shalt  }
0x70: {  	_ =	shalt  }
0x71: {  	_ =	shalt  }
0x72: {  	_ =	shalt  }
0x73: {  	_ =	shalt  }
0x74: {  	_ =	shalt  }
0x75: {  	_ =	shalt  }
0x76: {  	_ =	shalt  }
0x77: {  	_ =	shalt  }
0x78: {  	_ =	shalt  }
0x79: {  	_ =	shalt  }
0x7a: {  	_ =	shalt  }
0x7b: {  	_ =	shalt  }
0x7c: {  	_ =	shalt  }
0x7d: {  	_ =	shalt  }
0x7e: {  	_ =	shalt  }
0x7f: {  	_ =	shalt  }
0x80: {  	_ =	shalt  }
0x81: {  	_ =	shalt  }
0x82: {  	_ =	shalt  }
0x83: {  	_ =	shalt  }
0x84: {  	_ =	shalt  }
0x85: {  	_ =	shalt  }
0x86: {  	_ =	shalt  }
0x87: {  	_ =	shalt  }
.Lfunc_end0:
.L_simem_size_0:
called_computation_lowered:
.L_overlay_start_0:
0x88: {  	s2 =	sld [smem:$0x3FD9]  }
0x89: {  	s3 =	sld [smem:$0x3FFE];
	_ =	sdelay $0x1  }
0x8a: {  	s1 =	srdreg.scid  }
0x8b: {  	s0 =	sand.u32 $0x1, s1  }
0x8c: {  	s17 =	sshll.u32 s0, $0xA;
	s2 =	sadd.s32 s3, s2  }
0x8d: {  	s2 =	sadd.s32 s2, s17  }
0x8e: {  	[smem:$0x3FB4] =	sst s2  }
0x8f: {  	_ = 	snop  }
0x90: {  	s2 =	sld [smem:$0x3FC9];
	(tm) =	ssettm $0x1  }
0x91: {  	s18 =	sld [smem:$0x3FFB];
	_ =	sdelay $0x3  }
0x92: {  	_ =	strace s18  }
0x93: {  	s3 =	sld [smem:$0x3FFC];
	_ =	sdelay $0x3  }
0x94: {  	_ =	strace s3  }
0x95: {  	s3 =	sld [smem:$0x3FFD];
	_ =	sdelay $0x3  }
0x96: {  	_ =	strace s3  }
0x97: {  	_ =	strace $0x8FFFFFFF  }
0x98: {  	s19 =	sld [smem:$0x3FDB];
	_ =	sdelay $0x1  }
0x99: {  	s4 =	simm.s32 $_scs_section_size  }
0x9a: {  	s5 =	simm.s32 $_size__tile_overlayer_lowered;
	s6 =	simm.s32 $_tile_overlayer_lowered  }
0x9b: {  	s22 =	simm.s32 $0x1BFF;
	s21 =	sshll.u32 s6, $0x1;
	s3 =	sadd.s32 s4, s19  }
0x9c: {  	s7 =	simm.s32 $0x0;
	s20 =	sshll.u32 s5, $0x1;
	s5 =	sadd.s32 s21, s3  }
0x9d: {  	[timem:s7], [sflag:s22] =	dma.local [hbm:s5], s20  }
0x9e: {  	_ =	swait.ge [sflag:s22], s20  }
0x9f: {  	s4 =	ssub.s32 $0x0, s20;
	[sflag:s22] =	ssyncset.done $0x0  }
0xa0: {  	[sflag:s22] =	ssyncadd.s32 s4;
	_ =	sdelay $0x1  }
0xa1: {  	s23 =	simm.s32 $0x1B8B  }
0xa2: {  	_ =	swait.ge [sflag:s23], $0x1  }
0xa3: {  	[sflag:s23] =	ssyncset.done $0x0  }
0xa4: {  	s25 =	simm.s32 $0x1B8E;
	s24 =	sld [smem:$0x3FFE];
	[sflag:s23] =	ssyncadd.s32 $0xFFFFFFFF  }
0xa5: {  	s26 =	simm.s32 $execute0_lowered;
	[smem:$0x3FD2] =	sst s25  }
0xa6: {  	s5 =	sshll.u32 s26, $0x1;
	_ =	strace $0x80000046;
	[dreg:$0x1] =	wrdreg $0xFFFFFFFF  }
0xa7: {  	s28 =	simm.s32 $_size_execute0_lowered;
	s3 =	sadd.s32 s3, s5;
	[dreg:$0x0] =	wrdreg $0x0  }
0xa8: {  	s5 =	sshll.u32 s28, $0x1;
	[dreg:$0x2] =	wrdreg s3  }
0xa9: {  	[dreg:$0x3] =	wrdreg s5  }
0xaa: {  	[dreg:$0x4] =	wrdreg $0xC0  }
0xab: {  	_ =	task [dreg:s7], $0x5FFFF  }
0xac: {  	[dreg:$0x1] =	wrdreg $0xFFFFFFFF  }
0xad: {  	[dreg:$0x0] =	wrdreg $0x60  }
0xae: {  	[dreg:$0x2] =	wrdreg s2  }
0xaf: {  	[dreg:$0x3] =	wrdreg s24  }
0xb0: {  	[dreg:$0x4] =	wrdreg $0x9  }
0xb1: {  	_ =	task.clear_ibuf [dreg:s7], $0x5FFFF;
	_ =	strace $0x90000046  }
0xb2: {  	s29 =	simm.s32 $0x9;
	_ =	strace $0x80000048  }
0xb3: {  	_ =	swait.ge [sflag:s29], $0x1  }
0xb4: {  	[sflag:s29] =	ssyncadd.s32 $0xFFFFFFFF  }
0xb5: {  	_ =	strace $0x90000048  }
0xb6: {  	_ =	sfence  }
0xb7: {  	s30 =	sld [smem:$0x0];
	_ =	sdelay $0x2  }
0xb8: {  	s31 =	sshll.u32 s1, $0xD;
	s1 =	sshrl.u32 s1, $0x2  }
0xb9: {  	s3 =	sand.u32 $0x4000, s31;
	s1 =	sadd.s32 s1, s30  }
0xba: {  	s0 =	sor.u32 s3, s0;
	s1 =	sshll.u32 s1, $0x11  }
0xbb: {  	s0 =	sor.u32 s1, s0  }
0xbc: {  	s0 =	sadd.s32 $0x8F2B, s0  }
0xbd: {  	[sflag:s0] =	ssyncadd.remote.s32 $0x1  }
0xbe: {  	_ =	sfence.sel $0xFFFF  }
0xbf: {  	[dreg:$0x0] =	wrdreg $0xFFFFFFFF;
	(pc) =	sbr.abs _section_cstart, $3  }
0xc0: {  	[dreg:$0x1] =	wrdreg $0xFFFFFFFF  }
0xc1: {  	_ =	task.clear_ibuf [dreg:s7], $0x2FFFF;
	_ =	strace $0x9FFFFFFF  }
0xc2: {  	(tm) =	ssettm $0x7FFFFFFF  }
0xc3: {  	_ =	shalt  }
tec
execute0_lowered:
.L_overlay_start_1:
0x0: {  	(tag) =	ssettag $0x1  }
0x1: {  	s2 =	rddreg [dreg:$0x0];
	s1 =	srdreg.scid  }
0x2: {  	s0 =	stileid.u32;
	s5 =	rddreg [dreg:$0x1];
	s3 =	simm.s32 $0x0  }
0x3: {  	s31 =	simm.s32 $0x28;
	s12 =	simm.s32 $0x3400;
	s11 =	simm.s32 $0x1  }
0x4: {  	s13 =	simm.s32 $0x4800;
	s14 =	simm.s32 $0x5C00;
	s15 =	simm.s32 $0x7000  }
0x5: {  	s16 =	simm.s32 $0x6;
	s17 =	simm.s32 $0x7;
	s18 =	simm.s32 $0x8  }
0x6: {  	s19 =	simm.s32 $0x9;
	s20 =	simm.s32 $0xA;
	s21 =	simm.s32 $0x0  }
0x7: {  	s6 =	sand.u32 $0x1, s1;
	s4 =	sshll.u32 s0, $0x1;
	[smem:$0x7FF] =	sst s3  }
0x8: {  	s10 =	smul.u32 $0x1F400, s0;
	_ =	strace $0x80000047;
	[dreg:$0x3] =	wrdreg s31  }
0x9: {  	s4 =	sor.u32 s6, s4;
	s8 =	ssub.s32 $0x2, s6;
	[dreg:$0x4] =	wrdreg s12  }
0xa: {  	s28 =	smul.u32 $0xFA00, s6;
	s12 =	simm.s32 $0x2;
	[dreg:$0x5] =	wrdreg s13  }
0xb: {  	s13 =	simm.s32 $0x3;
	[dreg:$0x6] =	wrdreg s14;
	s14 =	simm.s32 $0x4  }
0xc: {  	[dreg:$0x7] =	wrdreg s15;
	s7 =	smul.u32 $0x680, s4;
	s9 =	sshrl.u32 s8, $0x1  }
0xd: {  	s15 =	simm.s32 $0x5;
	s4 =	smul.u32 $0xFA0, s4;
	s8 =	ssub.s32 s8, s9  }
0xe: {  	s9 =	simm.s32 $0xB;
	s7 =	sadd.s32 s7, s5;
	s5 =	sadd.s32 $0x10800, s5  }
0xf: {  	s29 =	sadd.s32 $0x3800, s7;
	s7 =	smax.u32 s8, $0x1;
	s30 =	sadd.s32 s10, s5  }
0x10: {  	s10 =	simm.s32 $0x8400;
	[dreg:$0x8] =	wrdreg s29;
	s8 =	sadd.s32 s28, s30  }
.LBB2_1:
0x11: {  	s0 =	rddreg [dreg:$0x8]  }
0x12: {  	[tilespmem:s3], [sflag:$0xB] =	stream.linear.gather [hbm4b:s0+s3], $0x3200, $0x38;
	[tilespmem:$0x9800] =	vst v63  }
0x13: {  	_ =	swait.ge [sflag:s9], $0x3200  }
0x14: {  	p0 =	por $0x0, $0x0;
	[sflag:s9] =	ssyncset.done $0x0  }
0x15: {  	s22 =	simm.s32 @p0 $0x6;
	[sflag:s9] =	ssyncadd.s32 $0xFFFFCE00  }
0x16: {  	_ =	swait.ge @p0 [sflag:s22], $0x1400  }
0x17: {  	s23 =	simm.s32 @p0 $0x3400;
	s24 =	simm.s32 @p0 $0x7;
	[sflag:s22] =	ssyncset.done @p0 $0x0  }
0x18: {  	s25 =	simm.s32 @p0 $0x28;
	[sflag:s22] =	ssyncadd.s32 @p0 $0xFFFFEC00;
	s22 =	simm.s32 @p0 $0x0  }
0x19: {  	[tilespmem:s23], [sflag:$0x1] =	stream.indirect.gather @p0 [hbm4b:s2+s25], $0x80, s22, s25, $0xb8;
	[tilespmem:$0x9800] =	vst v63  }
0x1a: {  	_ =	swait.ge @p0 [sflag:s24], $0x1400  }
0x1b: {  	s22 =	simm.s32 @p0 $0x80;
	[sflag:s24] =	ssyncset.done @p0 $0x0  }
0x1c: {  	s23 =	simm.s32 @p0 $0x4800;
	[sflag:s24] =	ssyncadd.s32 @p0 $0xFFFFEC00;
	s24 =	simm.s32 @p0 $0x8  }
0x1d: {  	[tilespmem:s23], [sflag:$0x2] =	stream.indirect.gather @p0 [hbm4b:s2+s25], $0x80, s22, s25, $0xb8;
	[tilespmem:$0x9800] =	vst v63  }
0x1e: {  	_ =	swait.ge @p0 [sflag:s24], $0x1400  }
0x1f: {  	s22 =	simm.s32 @p0 $0x100;
	[sflag:s24] =	ssyncset.done @p0 $0x0  }
0x20: {  	s23 =	simm.s32 @p0 $0x5C00;
	[sflag:s24] =	ssyncadd.s32 @p0 $0xFFFFEC00;
	s24 =	simm.s32 @p0 $0x9  }
0x21: {  	[tilespmem:s23], [sflag:$0x3] =	stream.indirect.gather @p0 [hbm4b:s2+s25], $0x80, s22, s25, $0xb8;
	[tilespmem:$0x9800] =	vst v63  }
0x22: {  	_ =	swait.ge @p0 [sflag:s24], $0x1400  }
0x23: {  	s22 =	simm.s32 @p0 $0x180;
	[sflag:s24] =	ssyncset.done @p0 $0x0  }
0x24: {  	s23 =	simm.s32 @p0 $0x7000;
	[sflag:s24] =	ssyncadd.s32 @p0 $0xFFFFEC00;
	s24 =	simm.s32 @p0 $0xA  }
0x25: {  	[tilespmem:s23], [sflag:$0x4] =	stream.indirect.gather @p0 [hbm4b:s2+s25], $0x80, s22, s25, $0xb8;
	[tilespmem:$0x9800] =	vst v63  }
0x26: {  	_ =	swait.ge @p0 [sflag:s24], $0x1400  }
0x27: {  	s22 =	simm.s32 @!p0 $0x3400;
	[sflag:s24] =	ssyncset.done @p0 $0x0  }
0x28: {  	s23 =	simm.s32 @!p0 $0x28;
	[sflag:s24] =	ssyncadd.s32 @p0 $0xFFFFEC00;
	s24 =	simm.s32 @!p0 $0x0  }
0x29: {  	[tilespmem:s22], [sflag:$0x1] =	stream.indirect.gather @!p0 [hbm4b:s2+s23], $0x80, s24, s23, $0xb8;
	[tilespmem:$0x9800] =	vst v63  }
0x2a: {  	s22 =	simm.s32 @!p0 $0x80;
	s24 =	simm.s32 @!p0 $0x4800  }
0x2b: {  	[tilespmem:s24], [sflag:$0x2] =	stream.indirect.gather @!p0 [hbm4b:s2+s23], $0x80, s22, s23, $0xb8;
	[tilespmem:$0x9800] =	vst v63  }
0x2c: {  	s22 =	simm.s32 @!p0 $0x100;
	s24 =	simm.s32 @!p0 $0x5C00  }
0x2d: {  	[tilespmem:s24], [sflag:$0x3] =	stream.indirect.gather @!p0 [hbm4b:s2+s23], $0x80, s22, s23, $0xb8;
	[tilespmem:$0x9800] =	vst v63  }
0x2e: {  	s22 =	simm.s32 @!p0 $0x180;
	s24 =	simm.s32 @!p0 $0x7000  }
0x2f: {  	[tilespmem:s24], [sflag:$0x4] =	stream.indirect.gather @!p0 [hbm4b:s2+s23], $0x80, s22, s23, $0xb8;
	[tilespmem:$0x9800] =	vst v63  }
0x30: {  	s1 =	simm.s32 $0x200;
	s0 =	rddreg [dreg:$0x3]  }
0x31: {  	[tilespmem:s10], [sflag:$0x5] =	stream.indirect.gather [hbm4b:s2+s0], $0x80, s1, s0, $0xb8;
	[tilespmem:$0x9800] =	vst v63  }
0x32: {  	s23 =	simm.s32 @p0 $0x28;
	_ =	swait.ge [sflag:s11], $0x1400  }
0x33: {  	s23 =	simm.s32 @!p0 $0x28;
	[sflag:s11] =	ssyncset.done $0x0  }
0x34: {  	s24 =	sadd.s32 s4, s23;
	s6 =	rddreg [dreg:$0x4];
	[sflag:s11] =	ssyncadd.s32 $0xFFFFEC00  }
0x35: {  	[hbm4b:s8+s3] =	stream.linear.scatter [tilespmem:s6], [sflag:$0x6], $0x1400, $0x38;
	[tilespmem:$0x9800] =	vst v63  }
0x36: {  	s22 =	sshll.u32 s24, $0x4;
	_ =	swait.ge [sflag:s12], $0x1400  }
0x37: {  	s24 =	simm.s32 @p0 $0x50;
	s22 =	sadd.s32 s5, s22;
	[sflag:s12] =	ssyncset.done $0x0  }
0x38: {  	s24 =	simm.s32 @!p0 $0x50;
	s25 =	rddreg [dreg:$0x5];
	[sflag:s12] =	ssyncadd.s32 $0xFFFFEC00  }
0x39: {  	[hbm4b:s22+s3] =	stream.linear.scatter [tilespmem:s25], [sflag:$0x7], $0x1400, $0x38;
	[tilespmem:$0x9800] =	vst v63  }
0x3a: {  	s26 =	sadd.s32 s4, s24;
	s24 =	simm.s32 $0x78;
	_ =	swait.ge [sflag:s13], $0x1400  }
0x3b: {  	s24 =	simm.s32 @!p0 $0x78;
	s22 =	sshll.u32 s26, $0x4;
	[sflag:s13] =	ssyncset.done $0x0  }
0x3c: {  	s22 =	sadd.s32 s5, s22;
	s28 =	rddreg [dreg:$0x6];
	[sflag:s13] =	ssyncadd.s32 $0xFFFFEC00  }
0x3d: {  	[hbm4b:s22+s3] =	stream.linear.scatter [tilespmem:s28], [sflag:$0x8], $0x1400, $0x38;
	[tilespmem:$0x9800] =	vst v63  }
0x3e: {  	s29 =	sadd.s32 $0xA00, s8;
	s30 =	sadd.s32 s4, s24;
	_ =	swait.ge [sflag:s14], $0x1400  }
0x3f: {  	s23 =	simm.s32 $0x140;
	s22 =	sshll.u32 s30, $0x4;
	[sflag:s14] =	ssyncset.done $0x0  }
0x40: {  	s22 =	sadd.s32 s5, s22;
	s31 =	rddreg [dreg:$0x7];
	[sflag:s14] =	ssyncadd.s32 $0xFFFFEC00  }
0x41: {  	[hbm4b:s22+s3] =	stream.linear.scatter [tilespmem:s31], [sflag:$0x9], $0x1400, $0x38;
	[tilespmem:$0x9800] =	vst v63  }
0x42: {  	p0 =	por $0x1, $0x1;
	s24 =	simm.s32 $0xA00;
	_ =	swait.ge [sflag:s15], $0x1400  }
0x43: {  	s25 =	simm.s32 $0x1400;
	s22 =	sadd.s32 $0xC80, s8;
	[sflag:s15] =	ssyncset.done $0x0  }
.LBB2_2:
0x44: {  	s30 =	simm.s32 @p0 $0x6;
	[sflag:s15] =	ssyncadd.s32 $0xFFFFEC00  }
0x45: {  	[hbm4b:s29+s3] =	stream.linear.scatter [tilespmem:s10], [sflag:$0xA], $0x1400, $0x38;
	[tilespmem:$0x9800] =	vst v63  }
0x46: {  	_ =	swait.ge @p0 [sflag:s30], $0x1400  }
0x47: {  	s31 =	simm.s32 @p0 $0x7;
	s1 =	simm.s32 @p0 $0x28;
	[sflag:s30] =	ssyncset.done @p0 $0x0  }
0x48: {  	s29 =	simm.s32 @p0 $0x3400;
	[sflag:s30] =	ssyncadd.s32 @p0 $0xFFFFEC00;
	s30 =	sshra.s32 @p0 s24, $0x2  }
0x49: {  	[tilespmem:s29], [sflag:$0x1] =	stream.indirect.gather @p0 [hbm4b:s2+s1], $0x80, s30, s1, $0xb8;
	[tilespmem:$0x9800] =	vst v63  }
0x4a: {  	_ =	swait.ge @p0 [sflag:s31], $0x1400  }
0x4b: {  	s6 =	simm.s32 @p0 $0x8;
	[sflag:s31] =	ssyncset.done @p0 $0x0  }
0x4c: {  	s29 =	sadd.s32 @p0 $0x80, s30;
	[sflag:s31] =	ssyncadd.s32 @p0 $0xFFFFEC00;
	s31 =	simm.s32 @p0 $0x4800  }
0x4d: {  	[tilespmem:s31], [sflag:$0x2] =	stream.indirect.gather @p0 [hbm4b:s2+s1], $0x80, s29, s1, $0xb8;
	[tilespmem:$0x9800] =	vst v63  }
0x4e: {  	_ =	swait.ge @p0 [sflag:s6], $0x1400  }
0x4f: {  	s0 =	sadd.s32 @p0 $0x100, s30;
	[sflag:s6] =	ssyncset.done @p0 $0x0  }
0x50: {  	s29 =	simm.s32 @p0 $0x9;
	[sflag:s6] =	ssyncadd.s32 @p0 $0xFFFFEC00;
	s6 =	simm.s32 @p0 $0x5C00  }
0x51: {  	[tilespmem:s6], [sflag:$0x3] =	stream.indirect.gather @p0 [hbm4b:s2+s1], $0x80, s0, s1, $0xb8;
	[tilespmem:$0x9800] =	vst v63  }
0x52: {  	_ =	swait.ge @p0 [sflag:s29], $0x1400  }
0x53: {  	s30 =	sadd.s32 @p0 $0x180, s30;
	[sflag:s29] =	ssyncset.done @p0 $0x0  }
0x54: {  	s0 =	simm.s32 @p0 $0x7000;
	s6 =	simm.s32 @p0 $0xA;
	[sflag:s29] =	ssyncadd.s32 @p0 $0xFFFFEC00  }
0x55: {  	[tilespmem:s0], [sflag:$0x4] =	stream.indirect.gather @p0 [hbm4b:s2+s1], $0x80, s30, s1, $0xb8;
	[tilespmem:$0x9800] =	vst v63  }
0x56: {  	_ =	swait.ge @p0 [sflag:s6], $0x1400  }
0x57: {  	s0 =	simm.s32 @!p0 $0x3400;
	[sflag:s6] =	ssyncset.done @p0 $0x0  }
0x58: {  	s1 =	simm.s32 @!p0 $0x28;
	[sflag:s6] =	ssyncadd.s32 @p0 $0xFFFFEC00;
	s6 =	simm.s32 @!p0 $0x0  }
0x59: {  	[tilespmem:s0], [sflag:$0x1] =	stream.indirect.gather @!p0 [hbm4b:s2+s1], $0x80, s6, s1, $0xb8;
	[tilespmem:$0x9800] =	vst v63  }
0x5a: {  	s0 =	simm.s32 @!p0 $0x80;
	s6 =	simm.s32 @!p0 $0x4800  }
0x5b: {  	[tilespmem:s6], [sflag:$0x2] =	stream.indirect.gather @!p0 [hbm4b:s2+s1], $0x80, s0, s1, $0xb8;
	[tilespmem:$0x9800] =	vst v63  }
0x5c: {  	s0 =	simm.s32 @!p0 $0x100;
	s6 =	simm.s32 @!p0 $0x5C00  }
0x5d: {  	[tilespmem:s6], [sflag:$0x3] =	stream.indirect.gather @!p0 [hbm4b:s2+s1], $0x80, s0, s1, $0xb8;
	[tilespmem:$0x9800] =	vst v63  }
0x5e: {  	s31 =	sshra.s32 s24, $0x2;
	s0 =	simm.s32 @!p0 $0x180;
	s6 =	simm.s32 @!p0 $0x7000  }
0x5f: {  	[tilespmem:s6], [sflag:$0x4] =	stream.indirect.gather @!p0 [hbm4b:s2+s1], $0x80, s0, s1, $0xb8;
	[tilespmem:$0x9800] =	vst v63  }
0x60: {  	s29 =	rddreg [dreg:$0x3];
	s6 =	sadd.s32 $0x200, s31  }
0x61: {  	[tilespmem:s10], [sflag:$0x5] =	stream.indirect.gather [hbm4b:s2+s29], $0x80, s6, s29, $0xb8;
	[tilespmem:$0x9800] =	vst v63  }
0x62: {  	s28 =	smov.u32 s25;
	_ =	swait.ge [sflag:s11], $0x1400  }
0x63: {  	s24 =	smov.u32 s28;
	s1 =	sadd.s32 @p0 $0xFFFFFFB0, s23;
	[sflag:s11] =	ssyncset.done $0x0  }
0x64: {  	s1 =	simm.s32 @!p0 $0x28;
	s28 =	rddreg [dreg:$0x4];
	[sflag:s11] =	ssyncadd.s32 $0xFFFFEC00  }
0x65: {  	[hbm4b:s22+s3] =	stream.linear.scatter [tilespmem:s28], [sflag:$0x6], $0x1400, $0x38;
	[tilespmem:$0x9800] =	vst v63  }
0x66: {  	s30 =	sadd.s32 s4, s1;
	s6 =	sadd.s32 @p0 $0xFFFFFFD8, s23;
	_ =	swait.ge [sflag:s12], $0x1400  }
0x67: {  	s0 =	sshll.u32 s30, $0x4;
	s6 =	simm.s32 @!p0 $0x50;
	[sflag:s12] =	ssyncset.done $0x0  }
0x68: {  	s0 =	sadd.s32 s5, s0;
	s31 =	rddreg [dreg:$0x5];
	[sflag:s12] =	ssyncadd.s32 $0xFFFFEC00  }
0x69: {  	[hbm4b:s0+s3] =	stream.linear.scatter [tilespmem:s31], [sflag:$0x7], $0x1400, $0x38;
	[tilespmem:$0x9800] =	vst v63  }
0x6a: {  	s28 =	sadd.s32 s4, s6;
	_ =	swait.ge [sflag:s13], $0x1400  }
0x6b: {  	s0 =	sshll.u32 s28, $0x4;
	[sflag:s13] =	ssyncset.done $0x0  }
0x6c: {  	s0 =	sadd.s32 s5, s0;
	s30 =	rddreg [dreg:$0x6];
	[sflag:s13] =	ssyncadd.s32 $0xFFFFEC00  }
0x6d: {  	[hbm4b:s0+s3] =	stream.linear.scatter [tilespmem:s30], [sflag:$0x8], $0x1400, $0x38;
	[tilespmem:$0x9800] =	vst v63  }
0x6e: {  	s0 =	smov.u32 s23  }
0x6f: {  	s25 =	sadd.s32 $0xA00, s25;
	s26 =	smov.u32 s22;
	s0 =	simm.s32 @!p0 $0x78  }
0x70: {  	p1 =	sne.s32 s25, $0xC800;
	_ =	swait.ge [sflag:s14], $0x1400;
	s0 =	sadd.s32 s4, s0  }
.Ltmp0:
0x71: {  	[sflag:s14] =	ssyncset.done $0x0;
	s0 =	sshll.u32 s0, $0x4;
	(pc) =	sbr.rel @p1 .LBB2_2-.Ltmp0, $4  }
0x72: {  	s31 =	rddreg [dreg:$0x7];
	[sflag:s14] =	ssyncadd.s32 $0xFFFFEC00;
	s0 =	sadd.s32 s5, s0  }
0x73: {  	[hbm4b:s0+s3] =	stream.linear.scatter [tilespmem:s31], [sflag:$0x9], $0x1400, $0x38;
	[tilespmem:$0x9800] =	vst v63  }
0x74: {  	s29 =	sadd.s32 $0xA00, s26;
	s22 =	sadd.s32 $0xC80, s22;
	_ =	swait.ge [sflag:s15], $0x1400  }
0x75: {  	s23 =	sadd.s32 $0xC8, s23;
	p0 =	sne.s32 s24, $0x0;
	[sflag:s15] =	ssyncset.done $0x0  }
0x76: {  	s0 =	simm.s32 @p0 $0x6;
	[sflag:s15] =	ssyncadd.s32 $0xFFFFEC00  }
0x77: {  	[hbm4b:s29+s3] =	stream.linear.scatter [tilespmem:s10], [sflag:$0xA], $0x1400, $0x38;
	[tilespmem:$0x9800] =	vst v63  }
0x78: {  	_ =	swait.ge @p0 [sflag:s0], $0x1400  }
0x79: {  	s1 =	simm.s32 @p0 $0x3400;
	s6 =	simm.s32 @p0 $0x7;
	[sflag:s0] =	ssyncset.done @p0 $0x0  }
0x7a: {  	s25 =	simm.s32 @p0 $0x28;
	[sflag:s0] =	ssyncadd.s32 @p0 $0xFFFFEC00;
	s0 =	sshra.s32 @p0 s24, $0x2  }
0x7b: {  	[tilespmem:s1], [sflag:$0x1] =	stream.indirect.gather @p0 [hbm4b:s2+s25], $0x80, s0, s25, $0xb8;
	[tilespmem:$0x9800] =	vst v63  }
0x7c: {  	_ =	swait.ge @p0 [sflag:s6], $0x1400  }
0x7d: {  	s26 =	simm.s32 @p0 $0x8;
	[sflag:s6] =	ssyncset.done @p0 $0x0  }
0x7e: {  	s1 =	sadd.s32 @p0 $0x80, s0;
	[sflag:s6] =	ssyncadd.s32 @p0 $0xFFFFEC00;
	s6 =	simm.s32 @p0 $0x4800  }
0x7f: {  	[tilespmem:s6], [sflag:$0x2] =	stream.indirect.gather @p0 [hbm4b:s2+s25], $0x80, s1, s25, $0xb8;
	[tilespmem:$0x9800] =	vst v63  }
0x80: {  	_ =	swait.ge @p0 [sflag:s26], $0x1400  }
0x81: {  	s1 =	sadd.s32 @p0 $0x100, s0;
	[sflag:s26] =	ssyncset.done @p0 $0x0  }
0x82: {  	s6 =	simm.s32 @p0 $0x5C00;
	[sflag:s26] =	ssyncadd.s32 @p0 $0xFFFFEC00;
	s26 =	simm.s32 @p0 $0x9  }
0x83: {  	[tilespmem:s6], [sflag:$0x3] =	stream.indirect.gather @p0 [hbm4b:s2+s25], $0x80, s1, s25, $0xb8;
	[tilespmem:$0x9800] =	vst v63  }
0x84: {  	_ =	swait.ge @p0 [sflag:s26], $0x1400  }
0x85: {  	s0 =	sadd.s32 @p0 $0x180, s0;
	[sflag:s26] =	ssyncset.done @p0 $0x0  }
0x86: {  	s1 =	simm.s32 @p0 $0x7000;
	s6 =	simm.s32 @p0 $0xA;
	[sflag:s26] =	ssyncadd.s32 @p0 $0xFFFFEC00  }
0x87: {  	[tilespmem:s1], [sflag:$0x4] =	stream.indirect.gather @p0 [hbm4b:s2+s25], $0x80, s0, s25, $0xb8;
	[tilespmem:$0x9800] =	vst v63  }
0x88: {  	_ =	swait.ge @p0 [sflag:s6], $0x1400  }
0x89: {  	s0 =	simm.s32 @!p0 $0x3400;
	[sflag:s6] =	ssyncset.done @p0 $0x0  }
0x8a: {  	s1 =	simm.s32 @!p0 $0x28;
	[sflag:s6] =	ssyncadd.s32 @p0 $0xFFFFEC00;
	s6 =	simm.s32 @!p0 $0x0  }
0x8b: {  	[tilespmem:s0], [sflag:$0x1] =	stream.indirect.gather @!p0 [hbm4b:s2+s1], $0x80, s6, s1, $0xb8;
	[tilespmem:$0x9800] =	vst v63  }
0x8c: {  	s0 =	simm.s32 @!p0 $0x80;
	s6 =	simm.s32 @!p0 $0x4800  }
0x8d: {  	[tilespmem:s6], [sflag:$0x2] =	stream.indirect.gather @!p0 [hbm4b:s2+s1], $0x80, s0, s1, $0xb8;
	[tilespmem:$0x9800] =	vst v63  }
0x8e: {  	s0 =	simm.s32 @!p0 $0x100;
	s6 =	simm.s32 @!p0 $0x5C00  }
0x8f: {  	[tilespmem:s6], [sflag:$0x3] =	stream.indirect.gather @!p0 [hbm4b:s2+s1], $0x80, s0, s1, $0xb8;
	[tilespmem:$0x9800] =	vst v63  }
0x90: {  	s30 =	sshra.s32 s24, $0x2;
	s0 =	simm.s32 @!p0 $0x180;
	s6 =	simm.s32 @!p0 $0x7000  }
0x91: {  	[tilespmem:s6], [sflag:$0x4] =	stream.indirect.gather @!p0 [hbm4b:s2+s1], $0x80, s0, s1, $0xb8;
	[tilespmem:$0x9800] =	vst v63  }
0x92: {  	s31 =	rddreg [dreg:$0x3];
	s1 =	sadd.s32 $0x200, s30  }
0x93: {  	[tilespmem:s10], [sflag:$0x5] =	stream.indirect.gather [hbm4b:s2+s31], $0x80, s1, s31, $0xb8;
	[tilespmem:$0x9800] =	vst v63  }
0x94: {  	s1 =	sadd.s32 @p0 $0xFFFFFFB0, s23;
	_ =	swait.ge [sflag:s11], $0x1400  }
0x95: {  	s1 =	simm.s32 @!p0 $0x28;
	[sflag:s11] =	ssyncset.done $0x0  }
0x96: {  	s6 =	rddreg [dreg:$0x4];
	s24 =	sadd.s32 s4, s1;
	[sflag:s11] =	ssyncadd.s32 $0xFFFFEC00  }
0x97: {  	[hbm4b:s22+s3] =	stream.linear.scatter [tilespmem:s6], [sflag:$0x6], $0x1400, $0x38;
	[tilespmem:$0x9800] =	vst v63  }
0x98: {  	s0 =	sshll.u32 s24, $0x4;
	_ =	swait.ge [sflag:s12], $0x1400  }
0x99: {  	s6 =	sadd.s32 @p0 $0xFFFFFFD8, s23;
	s0 =	sadd.s32 s5, s0;
	[sflag:s12] =	ssyncset.done $0x0  }
0x9a: {  	s6 =	simm.s32 @!p0 $0x50;
	s25 =	rddreg [dreg:$0x5];
	[sflag:s12] =	ssyncadd.s32 $0xFFFFEC00  }
0x9b: {  	[hbm4b:s0+s3] =	stream.linear.scatter [tilespmem:s25], [sflag:$0x7], $0x1400, $0x38;
	[tilespmem:$0x9800] =	vst v63  }
0x9c: {  	s26 =	sadd.s32 s4, s6;
	_ =	swait.ge [sflag:s13], $0x1400  }
0x9d: {  	s23 =	simm.s32 @!p0 $0x78;
	s0 =	sshll.u32 s26, $0x4;
	[sflag:s13] =	ssyncset.done $0x0  }
0x9e: {  	s0 =	sadd.s32 s5, s0;
	s28 =	rddreg [dreg:$0x6];
	[sflag:s13] =	ssyncadd.s32 $0xFFFFEC00  }
0x9f: {  	[hbm4b:s0+s3] =	stream.linear.scatter [tilespmem:s28], [sflag:$0x8], $0x1400, $0x38;
	[tilespmem:$0x9800] =	vst v63  }
0xa0: {  	s29 =	sadd.s32 s4, s23;
	_ =	swait.ge [sflag:s14], $0x1400  }
0xa1: {  	s0 =	sshll.u32 s29, $0x4;
	[sflag:s14] =	ssyncset.done $0x0  }
0xa2: {  	s0 =	sadd.s32 s5, s0;
	s30 =	rddreg [dreg:$0x7];
	[sflag:s14] =	ssyncadd.s32 $0xFFFFEC00  }
0xa3: {  	[hbm4b:s0+s3] =	stream.linear.scatter [tilespmem:s30], [sflag:$0x9], $0x1400, $0x38;
	[tilespmem:$0x9800] =	vst v63  }
0xa4: {  	_ =	swait.ge [sflag:s15], $0x1400  }
0xa5: {  	[sflag:s15] =	ssyncset.done $0x0  }
0xa6: {  	s31 =	sadd.s32 $0xA00, s22;
	[sflag:s15] =	ssyncadd.s32 $0xFFFFEC00  }
0xa7: {  	[hbm4b:s31+s3] =	stream.linear.scatter [tilespmem:s10], [sflag:$0xA], $0x1400, $0x38;
	[tilespmem:$0x9800] =	vst v63  }
0xa8: {  	_ =	swait.ge [sflag:s16], $0x1400  }
0xa9: {  	[sflag:s16] =	ssyncset.done $0x0  }
0xaa: {  	[sflag:s16] =	ssyncadd.s32 $0xFFFFEC00  }
0xab: {  	_ =	swait.ge [sflag:s17], $0x1400  }
0xac: {  	[sflag:s17] =	ssyncset.done $0x0  }
0xad: {  	[sflag:s17] =	ssyncadd.s32 $0xFFFFEC00  }
0xae: {  	_ =	swait.ge [sflag:s18], $0x1400  }
0xaf: {  	[sflag:s18] =	ssyncset.done $0x0  }
0xb0: {  	s21 =	sadd.s32 $0x1, s21;
	[sflag:s18] =	ssyncadd.s32 $0xFFFFEC00  }
0xb1: {  	p0 =	sne.s32 s21, s7;
	_ =	swait.ge [sflag:s19], $0x1400  }
.Ltmp1:
0xb2: {  	[sflag:s19] =	ssyncset.done $0x0;
	(pc) =	sbr.rel @p0 .LBB2_1-.Ltmp1, $4  }
0xb3: {  	[sflag:s19] =	ssyncadd.s32 $0xFFFFEC00  }
0xb4: {  	_ =	swait.ge [sflag:s20], $0x1400  }
0xb5: {  	[sflag:s20] =	ssyncset.done $0x0  }
0xb6: {  	[sflag:s20] =	ssyncadd.s32 $0xFFFFEC00  }
0xb7: {  	_ =	sfence.sel $0x180000  }
0xb8: {  	[bflag:$0x0] =	sbarrier.arrive $0xFFFF  }
0xb9: {  	_ =	strace $0x90000047  }
0xba: {  	s0 =	stileid.u32;
	[bflag:$0x2] =	sbarrier.arrive $0xFFFF  }
0xbb: {  	p0 =	sne.s32 s0, $0x0;
	s0 =	rddreg [dreg:$0x2]  }
0xbc: {  	s0 =	sadd.s32 @!p0 $0x100000, s0  }
0xbd: {  	[sflag:s0] =	ssyncadd.tile.s32 @!p0 $0x1;
	_ =	shalt  }
.Lfunc_end2:
_tile_overlayer_lowered:
.L_overlay_start_2:
0xbe: {  	(tag) =	ssettag $0x2  }
0xbf: {  	s0 =	rddreg [dreg:$0x0];
	s2 =	stileid.u32  }
0xc0: {  	s1 =	rddreg [dreg:$0x1];
	p0 =	sne.s32 s2, $0x0  }
0xc1: {  	s3 =	rddreg [dreg:$0x2];
	[bflag:$0x3] =	sbarrier.arrive $0xFFFF;
	s2 =	simm.s32 @!p0 $0x1C0B  }
0xc2: {  	[timem:s3], [sflag:s2] =	dma.local @!p0 [hbm:s0], s1  }
0xc3: {  	s0 =	simm.s32 @!p0 $0xB  }
0xc4: {  	_ =	swait.ge @!p0 [sflag:s0], s1  }
0xc5: {  	s1 =	ssub.s32 @!p0 $0x0, s1;
	[sflag:s0] =	ssyncset.done @!p0 $0x0  }
0xc6: {  	[sflag:s0] =	ssyncadd.s32 @!p0 s1  }
0xc7: {  	[bflag:$0x3] =	sbarrier.arrive $0xFFFF  }
0xc8: {  	_ =	shalt  }

// kernel: kernel.9.cloned.1.call-start
scs
__scs_entry_jumppad:
0x0: {  	(pc) =	sbr.rel $0x88, $3  }
0x1: {  	(tag) =	ssettag $0x0;
	lr =	simm.s32 $0x1  }
0x2: {  	[smem:$0x3F8D] =	sst lr;
	_ =	strace $0xD0000000  }
0x3: {  	_ = 	snop  }
0x4: {  	_ = 	snop  }
0x5: {  	_ = 	snop  }
0x6: {  	_ = 	snop  }
0x7: {  	_ = 	snop  }
__scs_overlays_trampoline_lowered:
0x8: {  	[smem:$0x3F9C] =	sst s0  }
0x9: {  	[smem:$0x3F9D] =	sst s1  }
0xa: {  	[smem:$0x3F9E] =	sst s2  }
0xb: {  	[smem:$0x3F9F] =	sst s3  }
0xc: {  	[smem:$0x3FA0] =	sst s4  }
0xd: {  	[smem:$0x3FA1] =	sst s5  }
0xe: {  	[smem:$0x3FA2] =	sst s6  }
0xf: {  	[smem:$0x3FA3] =	sst s7  }
0x10: {  	[smem:$0x3FA4] =	sst s8  }
0x11: {  	[smem:$0x3FA5] =	sst s9;
	s0 =	simm.s32 @!p0 $0x0  }
0x12: {  	s1 =	sld [smem:$0x3F8B];
	s0 =	simm.s32 @p0 $0x1  }
0x13: {  	[smem:$0x3FA6] =	sst s0;
	s0 =	simm.s32 @!p1 $0x0  }
0x14: {  	s2 =	sld [smem:$0x3F8A];
	s0 =	simm.s32 @p1 $0x1  }
0x15: {  	[smem:$0x3FA7] =	sst s0;
	s0 =	simm.s32 @!p2 $0x0  }
0x16: {  	s3 =	sld [smem:$0x3FDB];
	s0 =	simm.s32 @p2 $0x1  }
0x17: {  	s4 =	simm.s32 $0x1BF5;
	[smem:$0x3FA9] =	sst s0  }
0x18: {  	s0 =	sld [smem:$0x3F8C];
	_ =	swait.ge [sflag:s4], $0x0  }
0x19: {  	s7 =	sld [smem:$0x3F8D]  }
0x1a: {  	s8 =	sadd.s32 $0xFFFFE003, lr  }
0x1b: {  	s9 =	sadd.s32 $0xFFFFFEF7, lr;
	s5 =	simm.s32 $0xFFFFFFFF;
	p2 =	slt.u32 s8, $0xFFFFF086  }
0x1c: {  	p1 =	slt.u32 s9, $0xF7A;
	s5 =	simm.s32 @!p2 $0x0  }
0x1d: {  	s5 =	simm.s32 @p1 $0x1;
	p0 =	seq.s32 s7, s2  }
0x1e: {  	s7 =	smul.u32 @!p0 $0xF7A, s2;
	p2 =	seq.s32 @!p0 s5, $0x0  }
0x1f: {  	s9 =	smul.u32 $0xF7A, s1;
	s8 =	simm.s32 @!p0 $0x1BF5;
	p2 =	por !p2, p0  }
0x20: {  	[sflag:s8] =	ssyncset.s32 @!p0 $0xFFFFF086;
	s6 =	sadd.s32 @!p0 s3, s7;
	s7 =	simm.s32 @!p0 $0x108  }
0x21: {  	s3 =	sadd.s32 s3, s9;
	s6 =	sadd.s32 @!p0 $0x88, s6;
	s7 =	simm.s32 @p2 $0x1082  }
0x22: {  	[simem:s7], [sflag:s8] =	dma.local @!p0 [hbm:s6], $0xF7A  }
0x23: {  	s9 =	sor.u32 $0xD0000000, s2;
	s6 =	simm.s32 $0x108;
	_ =	swait.ge @!p0 [sflag:s8], $0x0  }
0x24: {  	s3 =	sadd.s32 $0x88, s3;
	s6 =	simm.s32 @!p1 $0x1082;
	[sflag:s4] =	ssyncset.s32 $0xFFFFF086  }
0x25: {  	[simem:s6], [sflag:s4] =	dma.local [hbm:s3], $0xF7A  }
0x26: {  	[smem:$0x3F8D] =	sst s1;
	(tag) =	ssettag s2;
	_ =	strace s9  }
0x27: {  	s1 =	sld [smem:$0x3F9D]  }
0x28: {  	s2 =	sld [smem:$0x3F9E]  }
0x29: {  	s4 =	sld [smem:$0x3FA0]  }
0x2a: {  	p0 =	seq.s32 s5, $0x0;
	s5 =	sld [smem:$0x3FA1]  }
0x2b: {  	s6 =	sld [smem:$0x3FA2]  }
0x2c: {  	s7 =	sld [smem:$0x3FA3]  }
0x2d: {  	s3 =	simm.s32 $0x108;
	s8 =	sld [smem:$0x3FA4]  }
0x2e: {  	s3 =	simm.s32 @!p0 $0x1082;
	s9 =	sld [smem:$0x3FA5]  }
0x2f: {  	lr =	sadd.s32 s0, s3;
	s0 =	sld [smem:$0x3F9C]  }
0x30: {  	s3 =	sld [smem:$0x3F9F]  }
0x31: {  	[smem:$0x3FA8] =	sst s10  }
0x32: {  	s10 =	sld [smem:$0x3FA6];
	_ =	sdelay $0x3  }
0x33: {  	p0 =	seq.s32 s10, $0x1;
	s10 =	sld [smem:$0x3FA8];
	_ =	sdelay $0x3  }
0x34: {  	[smem:$0x3FA8] =	sst s10  }
0x35: {  	s10 =	sld [smem:$0x3FA7];
	_ =	sdelay $0x3  }
0x36: {  	p1 =	seq.s32 s10, $0x1;
	s10 =	sld [smem:$0x3FA8];
	_ =	sdelay $0x3  }
0x37: {  	[smem:$0x3FA8] =	sst s10  }
0x38: {  	s10 =	sld [smem:$0x3FA9]  }
0x39: {  	_ = 	snop;
	(pc) =	sbr.ind lr, $3  }
0x3a: {  	_ = 	snop  }
0x3b: {  	_ = 	snop  }
0x3c: {  	p2 =	seq.s32 s10, $0x1;
	s10 =	sld [smem:$0x3FA8]  }
0x3d: {  	_ =	shalt  }
0x3e: {  	_ =	shalt  }
0x3f: {  	_ =	shalt  }
0x40: {  	_ =	shalt  }
0x41: {  	_ =	shalt  }
0x42: {  	_ =	shalt  }
0x43: {  	_ =	shalt  }
0x44: {  	_ =	shalt  }
0x45: {  	_ =	shalt  }
0x46: {  	_ =	shalt  }
0x47: {  	_ =	shalt  }
0x48: {  	_ =	shalt  }
0x49: {  	_ =	shalt  }
0x4a: {  	_ =	shalt  }
0x4b: {  	_ =	shalt  }
0x4c: {  	_ =	shalt  }
0x4d: {  	_ =	shalt  }
0x4e: {  	_ =	shalt  }
0x4f: {  	_ =	shalt  }
0x50: {  	_ =	shalt  }
0x51: {  	_ =	shalt  }
0x52: {  	_ =	shalt  }
0x53: {  	_ =	shalt  }
0x54: {  	_ =	shalt  }
0x55: {  	_ =	shalt  }
0x56: {  	_ =	shalt  }
0x57: {  	_ =	shalt  }
0x58: {  	_ =	shalt  }
0x59: {  	_ =	shalt  }
0x5a: {  	_ =	shalt  }
0x5b: {  	_ =	shalt  }
0x5c: {  	_ =	shalt  }
0x5d: {  	_ =	shalt  }
0x5e: {  	_ =	shalt  }
0x5f: {  	_ =	shalt  }
0x60: {  	_ =	shalt  }
0x61: {  	_ =	shalt  }
0x62: {  	_ =	shalt  }
0x63: {  	_ =	shalt  }
0x64: {  	_ =	shalt  }
0x65: {  	_ =	shalt  }
0x66: {  	_ =	shalt  }
0x67: {  	_ =	shalt  }
0x68: {  	_ =	shalt  }
0x69: {  	_ =	shalt  }
0x6a: {  	_ =	shalt  }
0x6b: {  	_ =	shalt  }
0x6c: {  	_ =	shalt  }
0x6d: {  	_ =	shalt  }
0x6e: {  	_ =	shalt  }
0x6f: {  	_ =	shalt  }
0x70: {  	_ =	shalt  }
0x71: {  	_ =	shalt  }
0x72: {  	_ =	shalt  }
0x73: {  	_ =	shalt  }
0x74: {  	_ =	shalt  }
0x75: {  	_ =	shalt  }
0x76: {  	_ =	shalt  }
0x77: {  	_ =	shalt  }
0x78: {  	_ =	shalt  }
0x79: {  	_ =	shalt  }
0x7a: {  	_ =	shalt  }
0x7b: {  	_ =	shalt  }
0x7c: {  	_ =	shalt  }
0x7d: {  	_ =	shalt  }
0x7e: {  	_ =	shalt  }
0x7f: {  	_ =	shalt  }
0x80: {  	_ =	shalt  }
0x81: {  	_ =	shalt  }
0x82: {  	_ =	shalt  }
0x83: {  	_ =	shalt  }
0x84: {  	_ =	shalt  }
0x85: {  	_ =	shalt  }
0x86: {  	_ =	shalt  }
0x87: {  	_ =	shalt  }
.Lfunc_end0:
.L_simem_size_0:
called_computation.1_lowered:
.L_overlay_start_0:
0x88: {  	s2 =	sld [smem:$0x3FD9]  }
0x89: {  	s3 =	sld [smem:$0x3FFE];
	_ =	sdelay $0x1  }
0x8a: {  	s1 =	srdreg.scid  }
0x8b: {  	s0 =	sand.u32 $0x1, s1  }
0x8c: {  	s17 =	sshll.u32 s0, $0xA;
	s2 =	sadd.s32 s3, s2  }
0x8d: {  	s2 =	sadd.s32 s2, s17  }
0x8e: {  	[smem:$0x3FB4] =	sst s2  }
0x8f: {  	_ = 	snop  }
0x90: {  	s18 =	sld [smem:$0x3FC9];
	(tm) =	ssettm $0x1  }
0x91: {  	s19 =	sld [smem:$0x3FFB];
	_ =	sdelay $0x3  }
0x92: {  	_ =	strace s19  }
0x93: {  	s2 =	sld [smem:$0x3FFC];
	_ =	sdelay $0x3  }
0x94: {  	_ =	strace s2  }
0x95: {  	s2 =	sld [smem:$0x3FFD];
	_ =	sdelay $0x3  }
0x96: {  	_ =	strace s2  }
0x97: {  	_ =	strace $0x8FFFFFFF  }
0x98: {  	s20 =	sld [smem:$0x3FDB];
	_ =	sdelay $0x1  }
0x99: {  	s4 =	simm.s32 $_scs_section_size  }
0x9a: {  	s5 =	simm.s32 $_size__tile_overlayer_lowered;
	s6 =	simm.s32 $_tile_overlayer_lowered  }
0x9b: {  	s7 =	simm.s32 $0x1BFF;
	s21 =	sshll.u32 s6, $0x1;
	s4 =	sadd.s32 s4, s20  }
0x9c: {  	s22 =	simm.s32 $0x0;
	s5 =	sshll.u32 s5, $0x1;
	s6 =	sadd.s32 s21, s4  }
0x9d: {  	[timem:s22], [sflag:s7] =	dma.local [hbm:s6], s5  }
0x9e: {  	_ =	swait.ge [sflag:s7], s5  }
0x9f: {  	s5 =	ssub.s32 $0x0, s5;
	[sflag:s7] =	ssyncset.done $0x0  }
0xa0: {  	[sflag:s7] =	ssyncadd.s32 s5;
	_ =	sdelay $0x1  }
0xa1: {  	s23 =	simm.s32 $0x1B8B  }
0xa2: {  	_ =	swait.ge [sflag:s23], $0x1  }
0xa3: {  	[sflag:s23] =	ssyncset.done $0x0  }
0xa4: {  	[sflag:s23] =	ssyncadd.s32 $0xFFFFFFFF  }
0xa5: {  	s5 =	sld [smem:$0x0]  }
0xa6: {  	s6 =	sand.u32 $0xFFFFFFFE, s1  }
0xa7: {  	p0 =	sne.s32 s1, s6  }
0xa8: {  	s6 =	sshll.u32 @p0 s6, $0xE  }
0xa9: {  	s6 =	sadd.s32 @p0 $0x11B8D, s6;
	s7 =	sshll.u32 @p0 s5, $0x11  }
0xaa: {  	s6 =	sor.u32 @p0 s7, s6  }
0xab: {  	[sflag:s6] =	ssyncadd.remote.s32 @p0 $0x1;
	_ =	sdelay $0x1  }
0xac: {  	s6 =	simm.s32 @p0 $0x1B8D  }
0xad: {  	_ =	swait.eq @p0 [sflag:s6], $0x1  }
0xae: {  	[sflag:s6] =	ssyncadd.s32 @p0 $0xFFFFFFFF  }
0xaf: {  	s7 =	sshll.u32 @!p0 s1, $0xE  }
0xb0: {  	s7 =	sor.u32 @!p0 $0x4000, s7;
	s6 =	simm.s32 @!p0 $0x1B8D  }
0xb1: {  	s5 =	sshll.u32 @!p0 s5, $0x11;
	s7 =	sadd.s32 @!p0 $0x11B8D, s7;
	_ =	swait.eq @!p0 [sflag:s6], $0x1  }
0xb2: {  	s5 =	sor.u32 @!p0 s5, s7;
	[sflag:s6] =	ssyncadd.s32 @!p0 $0xFFFFFFFF  }
0xb3: {  	s25 =	simm.s32 $0x1B8E;
	s24 =	sld [smem:$0x3FFE];
	[sflag:s5] =	ssyncadd.remote.s32 @!p0 $0x1  }
0xb4: {  	s26 =	simm.s32 $execute0_lowered;
	[smem:$0x3FD2] =	sst s25  }
0xb5: {  	s6 =	sshll.u32 s26, $0x1;
	_ =	strace $0x80000049;
	[dreg:$0x1] =	wrdreg $0xFFFFFFFF  }
0xb6: {  	s28 =	simm.s32 $_size_execute0_lowered;
	s4 =	sadd.s32 s4, s6;
	[dreg:$0x0] =	wrdreg $0x0  }
0xb7: {  	s6 =	sshll.u32 s28, $0x1;
	[dreg:$0x2] =	wrdreg s4  }
0xb8: {  	[dreg:$0x3] =	wrdreg s6  }
0xb9: {  	[dreg:$0x4] =	wrdreg $0xC0  }
0xba: {  	_ =	task [dreg:s22], $0x5FFFF  }
0xbb: {  	[dreg:$0x1] =	wrdreg $0xFFFFFFFF  }
0xbc: {  	[dreg:$0x0] =	wrdreg $0x60  }
0xbd: {  	[dreg:$0x2] =	wrdreg s18  }
0xbe: {  	[dreg:$0x3] =	wrdreg s24  }
0xbf: {  	[dreg:$0x4] =	wrdreg $0xA  }
0xc0: {  	_ =	task.clear_ibuf [dreg:s22], $0x5FFFF;
	_ =	strace $0x90000049  }
0xc1: {  	s29 =	simm.s32 $0xA;
	_ =	strace $0x8000004B  }
0xc2: {  	_ =	swait.ge [sflag:s29], $0x1  }
0xc3: {  	[sflag:s29] =	ssyncadd.s32 $0xFFFFFFFF  }
0xc4: {  	_ =	strace $0x9000004B  }
0xc5: {  	_ =	sfence  }
0xc6: {  	s30 =	sld [smem:$0x0];
	_ =	sdelay $0x2  }
0xc7: {  	s31 =	sshll.u32 s1, $0xD;
	s1 =	sshrl.u32 s1, $0x2  }
0xc8: {  	s4 =	sand.u32 $0x4000, s31;
	s1 =	sadd.s32 s1, s30  }
0xc9: {  	s0 =	sor.u32 s4, s0;
	s1 =	sshll.u32 s1, $0x11  }
0xca: {  	s0 =	sor.u32 s1, s0  }
0xcb: {  	s0 =	sadd.s32 $0x8F2B, s0  }
0xcc: {  	[sflag:s0] =	ssyncadd.remote.s32 $0x1  }
0xcd: {  	_ =	sfence.sel $0xFFFF  }
0xce: {  	[dreg:$0x0] =	wrdreg $0xFFFFFFFF;
	(pc) =	sbr.abs _section_cstart, $3  }
0xcf: {  	[dreg:$0x1] =	wrdreg $0xFFFFFFFF  }
0xd0: {  	_ =	task.clear_ibuf [dreg:s22], $0x2FFFF;
	_ =	strace $0x9FFFFFFF  }
0xd1: {  	(tm) =	ssettm $0x7FFFFFFF  }
tec
execute0_lowered:
.L_overlay_start_1:
0x0: {  	(tag) =	ssettag $0x1  }
0x1: {  	s2 =	rddreg [dreg:$0x0];
	s1 =	srdreg.scid  }
0x2: {  	s0 =	stileid.u32;
	s5 =	rddreg [dreg:$0x1];
	s3 =	simm.s32 $0x0  }
0x3: {  	s31 =	simm.s32 $0x50;
	s12 =	simm.s32 $0x6400;
	s11 =	simm.s32 $0x1  }
0x4: {  	s13 =	simm.s32 $0x8C00;
	s14 =	simm.s32 $0xB400;
	s15 =	simm.s32 $0xDC00  }
0x5: {  	s16 =	simm.s32 $0x6;
	s17 =	simm.s32 $0x7;
	s18 =	simm.s32 $0x8  }
0x6: {  	s19 =	simm.s32 $0x9;
	s20 =	simm.s32 $0xA;
	s21 =	simm.s32 $0x0  }
0x7: {  	s6 =	sand.u32 $0x1, s1;
	s4 =	sshll.u32 s0, $0x1;
	[smem:$0x7FF] =	sst s3  }
0x8: {  	s10 =	smul.u32 $0x7D000, s0;
	_ =	strace $0x8000004A;
	[dreg:$0x3] =	wrdreg s31  }
0x9: {  	s4 =	sor.u32 s6, s4;
	s8 =	ssub.s32 $0x2, s6;
	[dreg:$0x4] =	wrdreg s12  }
0xa: {  	s28 =	smul.u32 $0x3E800, s6;
	s12 =	simm.s32 $0x2;
	[dreg:$0x5] =	wrdreg s13  }
0xb: {  	s13 =	simm.s32 $0x3;
	[dreg:$0x6] =	wrdreg s14;
	s14 =	simm.s32 $0x4  }
0xc: {  	[dreg:$0x7] =	wrdreg s15;
	s7 =	smul.u32 $0xC80, s4;
	s9 =	sshrl.u32 s8, $0x1  }
0xd: {  	s15 =	simm.s32 $0x5;
	s4 =	smul.u32 $0x3E80, s4;
	s8 =	ssub.s32 s8, s9  }
0xe: {  	s9 =	simm.s32 $0xB;
	s7 =	sadd.s32 s7, s5;
	s5 =	sadd.s32 $0x21D800, s5  }
0xf: {  	s29 =	sadd.s32 $0x204800, s7;
	s7 =	smax.u32 s8, $0x1;
	s30 =	sadd.s32 s10, s5  }
0x10: {  	s10 =	simm.s32 $0x10400;
	[dreg:$0x8] =	wrdreg s29;
	s8 =	sadd.s32 s28, s30  }
.LBB2_1:
0x11: {  	s0 =	rddreg [dreg:$0x8]  }
0x12: {  	[tilespmem:s3], [sflag:$0xB] =	stream.linear.gather [hbm4b:s0+s3], $0x6400, $0x38;
	[tilespmem:$0x12C00] =	vst v63  }
0x13: {  	_ =	swait.ge [sflag:s9], $0x6400  }
0x14: {  	p0 =	por $0x0, $0x0;
	[sflag:s9] =	ssyncset.done $0x0  }
0x15: {  	s22 =	simm.s32 @p0 $0x6;
	[sflag:s9] =	ssyncadd.s32 $0xFFFF9C00  }
0x16: {  	_ =	swait.ge @p0 [sflag:s22], $0x2800  }
0x17: {  	s23 =	simm.s32 @p0 $0x6400;
	s24 =	simm.s32 @p0 $0x7;
	[sflag:s22] =	ssyncset.done @p0 $0x0  }
0x18: {  	s25 =	simm.s32 @p0 $0x50;
	[sflag:s22] =	ssyncadd.s32 @p0 $0xFFFFD800;
	s22 =	simm.s32 @p0 $0x0  }
0x19: {  	[tilespmem:s23], [sflag:$0x1] =	stream.indirect.gather @p0 [hbm4b:s2+s25], $0x80, s22, s25, $0xb8;
	[tilespmem:$0x12C00] =	vst v63  }
0x1a: {  	_ =	swait.ge @p0 [sflag:s24], $0x2800  }
0x1b: {  	s22 =	simm.s32 @p0 $0x80;
	[sflag:s24] =	ssyncset.done @p0 $0x0  }
0x1c: {  	s23 =	simm.s32 @p0 $0x8C00;
	[sflag:s24] =	ssyncadd.s32 @p0 $0xFFFFD800;
	s24 =	simm.s32 @p0 $0x8  }
0x1d: {  	[tilespmem:s23], [sflag:$0x2] =	stream.indirect.gather @p0 [hbm4b:s2+s25], $0x80, s22, s25, $0xb8;
	[tilespmem:$0x12C00] =	vst v63  }
0x1e: {  	_ =	swait.ge @p0 [sflag:s24], $0x2800  }
0x1f: {  	s22 =	simm.s32 @p0 $0x100;
	[sflag:s24] =	ssyncset.done @p0 $0x0  }
0x20: {  	s23 =	simm.s32 @p0 $0xB400;
	[sflag:s24] =	ssyncadd.s32 @p0 $0xFFFFD800;
	s24 =	simm.s32 @p0 $0x9  }
0x21: {  	[tilespmem:s23], [sflag:$0x3] =	stream.indirect.gather @p0 [hbm4b:s2+s25], $0x80, s22, s25, $0xb8;
	[tilespmem:$0x12C00] =	vst v63  }
0x22: {  	_ =	swait.ge @p0 [sflag:s24], $0x2800  }
0x23: {  	s22 =	simm.s32 @p0 $0x180;
	[sflag:s24] =	ssyncset.done @p0 $0x0  }
0x24: {  	s23 =	simm.s32 @p0 $0xDC00;
	[sflag:s24] =	ssyncadd.s32 @p0 $0xFFFFD800;
	s24 =	simm.s32 @p0 $0xA  }
0x25: {  	[tilespmem:s23], [sflag:$0x4] =	stream.indirect.gather @p0 [hbm4b:s2+s25], $0x80, s22, s25, $0xb8;
	[tilespmem:$0x12C00] =	vst v63  }
0x26: {  	_ =	swait.ge @p0 [sflag:s24], $0x2800  }
0x27: {  	s22 =	simm.s32 @!p0 $0x6400;
	[sflag:s24] =	ssyncset.done @p0 $0x0  }
0x28: {  	s23 =	simm.s32 @!p0 $0x50;
	[sflag:s24] =	ssyncadd.s32 @p0 $0xFFFFD800;
	s24 =	simm.s32 @!p0 $0x0  }
0x29: {  	[tilespmem:s22], [sflag:$0x1] =	stream.indirect.gather @!p0 [hbm4b:s2+s23], $0x80, s24, s23, $0xb8;
	[tilespmem:$0x12C00] =	vst v63  }
0x2a: {  	s22 =	simm.s32 @!p0 $0x80;
	s24 =	simm.s32 @!p0 $0x8C00  }
0x2b: {  	[tilespmem:s24], [sflag:$0x2] =	stream.indirect.gather @!p0 [hbm4b:s2+s23], $0x80, s22, s23, $0xb8;
	[tilespmem:$0x12C00] =	vst v63  }
0x2c: {  	s22 =	simm.s32 @!p0 $0x100;
	s24 =	simm.s32 @!p0 $0xB400  }
0x2d: {  	[tilespmem:s24], [sflag:$0x3] =	stream.indirect.gather @!p0 [hbm4b:s2+s23], $0x80, s22, s23, $0xb8;
	[tilespmem:$0x12C00] =	vst v63  }
0x2e: {  	s22 =	simm.s32 @!p0 $0x180;
	s24 =	simm.s32 @!p0 $0xDC00  }
0x2f: {  	[tilespmem:s24], [sflag:$0x4] =	stream.indirect.gather @!p0 [hbm4b:s2+s23], $0x80, s22, s23, $0xb8;
	[tilespmem:$0x12C00] =	vst v63  }
0x30: {  	s1 =	simm.s32 $0x200;
	s0 =	rddreg [dreg:$0x3]  }
0x31: {  	[tilespmem:s10], [sflag:$0x5] =	stream.indirect.gather [hbm4b:s2+s0], $0x80, s1, s0, $0xb8;
	[tilespmem:$0x12C00] =	vst v63  }
0x32: {  	s23 =	simm.s32 @p0 $0x50;
	_ =	swait.ge [sflag:s11], $0x2800  }
0x33: {  	s23 =	simm.s32 @!p0 $0x50;
	[sflag:s11] =	ssyncset.done $0x0  }
0x34: {  	s24 =	sadd.s32 s4, s23;
	s6 =	rddreg [dreg:$0x4];
	[sflag:s11] =	ssyncadd.s32 $0xFFFFD800  }
0x35: {  	[hbm4b:s8+s3] =	stream.linear.scatter [tilespmem:s6], [sflag:$0x6], $0x2800, $0x38;
	[tilespmem:$0x12C00] =	vst v63  }
0x36: {  	s22 =	sshll.u32 s24, $0x4;
	_ =	swait.ge [sflag:s12], $0x2800  }
0x37: {  	s24 =	simm.s32 @p0 $0xA0;
	s22 =	sadd.s32 s5, s22;
	[sflag:s12] =	ssyncset.done $0x0  }
0x38: {  	s24 =	simm.s32 @!p0 $0xA0;
	s25 =	rddreg [dreg:$0x5];
	[sflag:s12] =	ssyncadd.s32 $0xFFFFD800  }
0x39: {  	[hbm4b:s22+s3] =	stream.linear.scatter [tilespmem:s25], [sflag:$0x7], $0x2800, $0x38;
	[tilespmem:$0x12C00] =	vst v63  }
0x3a: {  	s26 =	sadd.s32 s4, s24;
	s24 =	simm.s32 $0xF0;
	_ =	swait.ge [sflag:s13], $0x2800  }
0x3b: {  	s24 =	simm.s32 @!p0 $0xF0;
	s22 =	sshll.u32 s26, $0x4;
	[sflag:s13] =	ssyncset.done $0x0  }
0x3c: {  	s22 =	sadd.s32 s5, s22;
	s28 =	rddreg [dreg:$0x6];
	[sflag:s13] =	ssyncadd.s32 $0xFFFFD800  }
0x3d: {  	[hbm4b:s22+s3] =	stream.linear.scatter [tilespmem:s28], [sflag:$0x8], $0x2800, $0x38;
	[tilespmem:$0x12C00] =	vst v63  }
0x3e: {  	s29 =	sadd.s32 $0x1400, s8;
	s30 =	sadd.s32 s4, s24;
	_ =	swait.ge [sflag:s14], $0x2800  }
0x3f: {  	s23 =	simm.s32 $0x280;
	s22 =	sshll.u32 s30, $0x4;
	[sflag:s14] =	ssyncset.done $0x0  }
0x40: {  	s22 =	sadd.s32 s5, s22;
	s31 =	rddreg [dreg:$0x7];
	[sflag:s14] =	ssyncadd.s32 $0xFFFFD800  }
0x41: {  	[hbm4b:s22+s3] =	stream.linear.scatter [tilespmem:s31], [sflag:$0x9], $0x2800, $0x38;
	[tilespmem:$0x12C00] =	vst v63  }
0x42: {  	p0 =	por $0x1, $0x1;
	s24 =	simm.s32 $0xA00;
	_ =	swait.ge [sflag:s15], $0x2800  }
0x43: {  	s25 =	simm.s32 $0x1400;
	s22 =	sadd.s32 $0x1900, s8;
	[sflag:s15] =	ssyncset.done $0x0  }
.LBB2_2:
0x44: {  	s30 =	simm.s32 @p0 $0x6;
	[sflag:s15] =	ssyncadd.s32 $0xFFFFD800  }
0x45: {  	[hbm4b:s29+s3] =	stream.linear.scatter [tilespmem:s10], [sflag:$0xA], $0x2800, $0x38;
	[tilespmem:$0x12C00] =	vst v63  }
0x46: {  	_ =	swait.ge @p0 [sflag:s30], $0x2800  }
0x47: {  	s31 =	simm.s32 @p0 $0x7;
	s1 =	simm.s32 @p0 $0x50;
	[sflag:s30] =	ssyncset.done @p0 $0x0  }
0x48: {  	s29 =	simm.s32 @p0 $0x6400;
	[sflag:s30] =	ssyncadd.s32 @p0 $0xFFFFD800;
	s30 =	sshra.s32 @p0 s24, $0x2  }
0x49: {  	[tilespmem:s29], [sflag:$0x1] =	stream.indirect.gather @p0 [hbm4b:s2+s1], $0x80, s30, s1, $0xb8;
	[tilespmem:$0x12C00] =	vst v63  }
0x4a: {  	_ =	swait.ge @p0 [sflag:s31], $0x2800  }
0x4b: {  	s6 =	simm.s32 @p0 $0x8;
	[sflag:s31] =	ssyncset.done @p0 $0x0  }
0x4c: {  	s29 =	sadd.s32 @p0 $0x80, s30;
	[sflag:s31] =	ssyncadd.s32 @p0 $0xFFFFD800;
	s31 =	simm.s32 @p0 $0x8C00  }
0x4d: {  	[tilespmem:s31], [sflag:$0x2] =	stream.indirect.gather @p0 [hbm4b:s2+s1], $0x80, s29, s1, $0xb8;
	[tilespmem:$0x12C00] =	vst v63  }
0x4e: {  	_ =	swait.ge @p0 [sflag:s6], $0x2800  }
0x4f: {  	s0 =	sadd.s32 @p0 $0x100, s30;
	[sflag:s6] =	ssyncset.done @p0 $0x0  }
0x50: {  	s29 =	simm.s32 @p0 $0x9;
	[sflag:s6] =	ssyncadd.s32 @p0 $0xFFFFD800;
	s6 =	simm.s32 @p0 $0xB400  }
0x51: {  	[tilespmem:s6], [sflag:$0x3] =	stream.indirect.gather @p0 [hbm4b:s2+s1], $0x80, s0, s1, $0xb8;
	[tilespmem:$0x12C00] =	vst v63  }
0x52: {  	_ =	swait.ge @p0 [sflag:s29], $0x2800  }
0x53: {  	s30 =	sadd.s32 @p0 $0x180, s30;
	[sflag:s29] =	ssyncset.done @p0 $0x0  }
0x54: {  	s0 =	simm.s32 @p0 $0xDC00;
	s6 =	simm.s32 @p0 $0xA;
	[sflag:s29] =	ssyncadd.s32 @p0 $0xFFFFD800  }
0x55: {  	[tilespmem:s0], [sflag:$0x4] =	stream.indirect.gather @p0 [hbm4b:s2+s1], $0x80, s30, s1, $0xb8;
	[tilespmem:$0x12C00] =	vst v63  }
0x56: {  	_ =	swait.ge @p0 [sflag:s6], $0x2800  }
0x57: {  	s0 =	simm.s32 @!p0 $0x6400;
	[sflag:s6] =	ssyncset.done @p0 $0x0  }
0x58: {  	s1 =	simm.s32 @!p0 $0x50;
	[sflag:s6] =	ssyncadd.s32 @p0 $0xFFFFD800;
	s6 =	simm.s32 @!p0 $0x0  }
0x59: {  	[tilespmem:s0], [sflag:$0x1] =	stream.indirect.gather @!p0 [hbm4b:s2+s1], $0x80, s6, s1, $0xb8;
	[tilespmem:$0x12C00] =	vst v63  }
0x5a: {  	s0 =	simm.s32 @!p0 $0x80;
	s6 =	simm.s32 @!p0 $0x8C00  }
0x5b: {  	[tilespmem:s6], [sflag:$0x2] =	stream.indirect.gather @!p0 [hbm4b:s2+s1], $0x80, s0, s1, $0xb8;
	[tilespmem:$0x12C00] =	vst v63  }
0x5c: {  	s0 =	simm.s32 @!p0 $0x100;
	s6 =	simm.s32 @!p0 $0xB400  }
0x5d: {  	[tilespmem:s6], [sflag:$0x3] =	stream.indirect.gather @!p0 [hbm4b:s2+s1], $0x80, s0, s1, $0xb8;
	[tilespmem:$0x12C00] =	vst v63  }
0x5e: {  	s31 =	sshra.s32 s24, $0x2;
	s0 =	simm.s32 @!p0 $0x180;
	s6 =	simm.s32 @!p0 $0xDC00  }
0x5f: {  	[tilespmem:s6], [sflag:$0x4] =	stream.indirect.gather @!p0 [hbm4b:s2+s1], $0x80, s0, s1, $0xb8;
	[tilespmem:$0x12C00] =	vst v63  }
0x60: {  	s29 =	rddreg [dreg:$0x3];
	s6 =	sadd.s32 $0x200, s31  }
0x61: {  	[tilespmem:s10], [sflag:$0x5] =	stream.indirect.gather [hbm4b:s2+s29], $0x80, s6, s29, $0xb8;
	[tilespmem:$0x12C00] =	vst v63  }
0x62: {  	s28 =	smov.u32 s25;
	_ =	swait.ge [sflag:s11], $0x2800  }
0x63: {  	s24 =	smov.u32 s28;
	s1 =	sadd.s32 @p0 $0xFFFFFF60, s23;
	[sflag:s11] =	ssyncset.done $0x0  }
0x64: {  	s1 =	simm.s32 @!p0 $0x50;
	s28 =	rddreg [dreg:$0x4];
	[sflag:s11] =	ssyncadd.s32 $0xFFFFD800  }
0x65: {  	[hbm4b:s22+s3] =	stream.linear.scatter [tilespmem:s28], [sflag:$0x6], $0x2800, $0x38;
	[tilespmem:$0x12C00] =	vst v63  }
0x66: {  	s30 =	sadd.s32 s4, s1;
	s6 =	sadd.s32 @p0 $0xFFFFFFB0, s23;
	_ =	swait.ge [sflag:s12], $0x2800  }
0x67: {  	s0 =	sshll.u32 s30, $0x4;
	s6 =	simm.s32 @!p0 $0xA0;
	[sflag:s12] =	ssyncset.done $0x0  }
0x68: {  	s0 =	sadd.s32 s5, s0;
	s31 =	rddreg [dreg:$0x5];
	[sflag:s12] =	ssyncadd.s32 $0xFFFFD800  }
0x69: {  	[hbm4b:s0+s3] =	stream.linear.scatter [tilespmem:s31], [sflag:$0x7], $0x2800, $0x38;
	[tilespmem:$0x12C00] =	vst v63  }
0x6a: {  	s28 =	sadd.s32 s4, s6;
	_ =	swait.ge [sflag:s13], $0x2800  }
0x6b: {  	s0 =	sshll.u32 s28, $0x4;
	[sflag:s13] =	ssyncset.done $0x0  }
0x6c: {  	s0 =	sadd.s32 s5, s0;
	s30 =	rddreg [dreg:$0x6];
	[sflag:s13] =	ssyncadd.s32 $0xFFFFD800  }
0x6d: {  	[hbm4b:s0+s3] =	stream.linear.scatter [tilespmem:s30], [sflag:$0x8], $0x2800, $0x38;
	[tilespmem:$0x12C00] =	vst v63  }
0x6e: {  	s0 =	smov.u32 s23  }
0x6f: {  	s25 =	sadd.s32 $0xA00, s25;
	s26 =	smov.u32 s22;
	s0 =	simm.s32 @!p0 $0xF0  }
0x70: {  	p1 =	sne.s32 s25, $0x19000;
	_ =	swait.ge [sflag:s14], $0x2800;
	s0 =	sadd.s32 s4, s0  }
.Ltmp0:
0x71: {  	[sflag:s14] =	ssyncset.done $0x0;
	s0 =	sshll.u32 s0, $0x4;
	(pc) =	sbr.rel @p1 .LBB2_2-.Ltmp0, $4  }
0x72: {  	s31 =	rddreg [dreg:$0x7];
	[sflag:s14] =	ssyncadd.s32 $0xFFFFD800;
	s0 =	sadd.s32 s5, s0  }
0x73: {  	[hbm4b:s0+s3] =	stream.linear.scatter [tilespmem:s31], [sflag:$0x9], $0x2800, $0x38;
	[tilespmem:$0x12C00] =	vst v63  }
0x74: {  	s29 =	sadd.s32 $0x1400, s26;
	s22 =	sadd.s32 $0x1900, s22;
	_ =	swait.ge [sflag:s15], $0x2800  }
0x75: {  	s23 =	sadd.s32 $0x190, s23;
	p0 =	sne.s32 s24, $0x0;
	[sflag:s15] =	ssyncset.done $0x0  }
0x76: {  	s0 =	simm.s32 @p0 $0x6;
	[sflag:s15] =	ssyncadd.s32 $0xFFFFD800  }
0x77: {  	[hbm4b:s29+s3] =	stream.linear.scatter [tilespmem:s10], [sflag:$0xA], $0x2800, $0x38;
	[tilespmem:$0x12C00] =	vst v63  }
0x78: {  	_ =	swait.ge @p0 [sflag:s0], $0x2800  }
0x79: {  	s1 =	simm.s32 @p0 $0x6400;
	s6 =	simm.s32 @p0 $0x7;
	[sflag:s0] =	ssyncset.done @p0 $0x0  }
0x7a: {  	s25 =	simm.s32 @p0 $0x50;
	[sflag:s0] =	ssyncadd.s32 @p0 $0xFFFFD800;
	s0 =	sshra.s32 @p0 s24, $0x2  }
0x7b: {  	[tilespmem:s1], [sflag:$0x1] =	stream.indirect.gather @p0 [hbm4b:s2+s25], $0x80, s0, s25, $0xb8;
	[tilespmem:$0x12C00] =	vst v63  }
0x7c: {  	_ =	swait.ge @p0 [sflag:s6], $0x2800  }
0x7d: {  	s26 =	simm.s32 @p0 $0x8;
	[sflag:s6] =	ssyncset.done @p0 $0x0  }
0x7e: {  	s1 =	sadd.s32 @p0 $0x80, s0;
	[sflag:s6] =	ssyncadd.s32 @p0 $0xFFFFD800;
	s6 =	simm.s32 @p0 $0x8C00  }
0x7f: {  	[tilespmem:s6], [sflag:$0x2] =	stream.indirect.gather @p0 [hbm4b:s2+s25], $0x80, s1, s25, $0xb8;
	[tilespmem:$0x12C00] =	vst v63  }
0x80: {  	_ =	swait.ge @p0 [sflag:s26], $0x2800  }
0x81: {  	s1 =	sadd.s32 @p0 $0x100, s0;
	[sflag:s26] =	ssyncset.done @p0 $0x0  }
0x82: {  	s6 =	simm.s32 @p0 $0xB400;
	[sflag:s26] =	ssyncadd.s32 @p0 $0xFFFFD800;
	s26 =	simm.s32 @p0 $0x9  }
0x83: {  	[tilespmem:s6], [sflag:$0x3] =	stream.indirect.gather @p0 [hbm4b:s2+s25], $0x80, s1, s25, $0xb8;
	[tilespmem:$0x12C00] =	vst v63  }
0x84: {  	_ =	swait.ge @p0 [sflag:s26], $0x2800  }
0x85: {  	s0 =	sadd.s32 @p0 $0x180, s0;
	[sflag:s26] =	ssyncset.done @p0 $0x0  }
0x86: {  	s1 =	simm.s32 @p0 $0xDC00;
	s6 =	simm.s32 @p0 $0xA;
	[sflag:s26] =	ssyncadd.s32 @p0 $0xFFFFD800  }
0x87: {  	[tilespmem:s1], [sflag:$0x4] =	stream.indirect.gather @p0 [hbm4b:s2+s25], $0x80, s0, s25, $0xb8;
	[tilespmem:$0x12C00] =	vst v63  }
0x88: {  	_ =	swait.ge @p0 [sflag:s6], $0x2800  }
0x89: {  	s0 =	simm.s32 @!p0 $0x6400;
	[sflag:s6] =	ssyncset.done @p0 $0x0  }
0x8a: {  	s1 =	simm.s32 @!p0 $0x50;
	[sflag:s6] =	ssyncadd.s32 @p0 $0xFFFFD800;
	s6 =	simm.s32 @!p0 $0x0  }
0x8b: {  	[tilespmem:s0], [sflag:$0x1] =	stream.indirect.gather @!p0 [hbm4b:s2+s1], $0x80, s6, s1, $0xb8;
	[tilespmem:$0x12C00] =	vst v63  }
0x8c: {  	s0 =	simm.s32 @!p0 $0x80;
	s6 =	simm.s32 @!p0 $0x8C00  }
0x8d: {  	[tilespmem:s6], [sflag:$0x2] =	stream.indirect.gather @!p0 [hbm4b:s2+s1], $0x80, s0, s1, $0xb8;
	[tilespmem:$0x12C00] =	vst v63  }
0x8e: {  	s0 =	simm.s32 @!p0 $0x100;
	s6 =	simm.s32 @!p0 $0xB400  }
0x8f: {  	[tilespmem:s6], [sflag:$0x3] =	stream.indirect.gather @!p0 [hbm4b:s2+s1], $0x80, s0, s1, $0xb8;
	[tilespmem:$0x12C00] =	vst v63  }
0x90: {  	s30 =	sshra.s32 s24, $0x2;
	s0 =	simm.s32 @!p0 $0x180;
	s6 =	simm.s32 @!p0 $0xDC00  }
0x91: {  	[tilespmem:s6], [sflag:$0x4] =	stream.indirect.gather @!p0 [hbm4b:s2+s1], $0x80, s0, s1, $0xb8;
	[tilespmem:$0x12C00] =	vst v63  }
0x92: {  	s31 =	rddreg [dreg:$0x3];
	s1 =	sadd.s32 $0x200, s30  }
0x93: {  	[tilespmem:s10], [sflag:$0x5] =	stream.indirect.gather [hbm4b:s2+s31], $0x80, s1, s31, $0xb8;
	[tilespmem:$0x12C00] =	vst v63  }
0x94: {  	s1 =	sadd.s32 @p0 $0xFFFFFF60, s23;
	_ =	swait.ge [sflag:s11], $0x2800  }
0x95: {  	s1 =	simm.s32 @!p0 $0x50;
	[sflag:s11] =	ssyncset.done $0x0  }
0x96: {  	s6 =	rddreg [dreg:$0x4];
	s24 =	sadd.s32 s4, s1;
	[sflag:s11] =	ssyncadd.s32 $0xFFFFD800  }
0x97: {  	[hbm4b:s22+s3] =	stream.linear.scatter [tilespmem:s6], [sflag:$0x6], $0x2800, $0x38;
	[tilespmem:$0x12C00] =	vst v63  }
0x98: {  	s0 =	sshll.u32 s24, $0x4;
	_ =	swait.ge [sflag:s12], $0x2800  }
0x99: {  	s6 =	sadd.s32 @p0 $0xFFFFFFB0, s23;
	s0 =	sadd.s32 s5, s0;
	[sflag:s12] =	ssyncset.done $0x0  }
0x9a: {  	s6 =	simm.s32 @!p0 $0xA0;
	s25 =	rddreg [dreg:$0x5];
	[sflag:s12] =	ssyncadd.s32 $0xFFFFD800  }
0x9b: {  	[hbm4b:s0+s3] =	stream.linear.scatter [tilespmem:s25], [sflag:$0x7], $0x2800, $0x38;
	[tilespmem:$0x12C00] =	vst v63  }
0x9c: {  	s26 =	sadd.s32 s4, s6;
	_ =	swait.ge [sflag:s13], $0x2800  }
0x9d: {  	s23 =	simm.s32 @!p0 $0xF0;
	s0 =	sshll.u32 s26, $0x4;
	[sflag:s13] =	ssyncset.done $0x0  }
0x9e: {  	s0 =	sadd.s32 s5, s0;
	s28 =	rddreg [dreg:$0x6];
	[sflag:s13] =	ssyncadd.s32 $0xFFFFD800  }
0x9f: {  	[hbm4b:s0+s3] =	stream.linear.scatter [tilespmem:s28], [sflag:$0x8], $0x2800, $0x38;
	[tilespmem:$0x12C00] =	vst v63  }
0xa0: {  	s29 =	sadd.s32 s4, s23;
	_ =	swait.ge [sflag:s14], $0x2800  }
0xa1: {  	s0 =	sshll.u32 s29, $0x4;
	[sflag:s14] =	ssyncset.done $0x0  }
0xa2: {  	s0 =	sadd.s32 s5, s0;
	s30 =	rddreg [dreg:$0x7];
	[sflag:s14] =	ssyncadd.s32 $0xFFFFD800  }
0xa3: {  	[hbm4b:s0+s3] =	stream.linear.scatter [tilespmem:s30], [sflag:$0x9], $0x2800, $0x38;
	[tilespmem:$0x12C00] =	vst v63  }
0xa4: {  	_ =	swait.ge [sflag:s15], $0x2800  }
0xa5: {  	[sflag:s15] =	ssyncset.done $0x0  }
0xa6: {  	s31 =	sadd.s32 $0x1400, s22;
	[sflag:s15] =	ssyncadd.s32 $0xFFFFD800  }
0xa7: {  	[hbm4b:s31+s3] =	stream.linear.scatter [tilespmem:s10], [sflag:$0xA], $0x2800, $0x38;
	[tilespmem:$0x12C00] =	vst v63  }
0xa8: {  	_ =	swait.ge [sflag:s16], $0x2800  }
0xa9: {  	[sflag:s16] =	ssyncset.done $0x0  }
0xaa: {  	[sflag:s16] =	ssyncadd.s32 $0xFFFFD800  }
0xab: {  	_ =	swait.ge [sflag:s17], $0x2800  }
0xac: {  	[sflag:s17] =	ssyncset.done $0x0  }
0xad: {  	[sflag:s17] =	ssyncadd.s32 $0xFFFFD800  }
0xae: {  	_ =	swait.ge [sflag:s18], $0x2800  }
0xaf: {  	[sflag:s18] =	ssyncset.done $0x0  }
0xb0: {  	s21 =	sadd.s32 $0x1, s21;
	[sflag:s18] =	ssyncadd.s32 $0xFFFFD800  }
0xb1: {  	p0 =	sne.s32 s21, s7;
	_ =	swait.ge [sflag:s19], $0x2800  }
.Ltmp1:
0xb2: {  	[sflag:s19] =	ssyncset.done $0x0;
	(pc) =	sbr.rel @p0 .LBB2_1-.Ltmp1, $4  }
0xb3: {  	[sflag:s19] =	ssyncadd.s32 $0xFFFFD800  }
0xb4: {  	_ =	swait.ge [sflag:s20], $0x2800  }
0xb5: {  	[sflag:s20] =	ssyncset.done $0x0  }
0xb6: {  	[sflag:s20] =	ssyncadd.s32 $0xFFFFD800  }
0xb7: {  	_ =	sfence.sel $0x180000  }
0xb8: {  	[bflag:$0x0] =	sbarrier.arrive $0xFFFF  }
0xb9: {  	_ =	strace $0x9000004A  }
0xba: {  	s0 =	stileid.u32;
	[bflag:$0x2] =	sbarrier.arrive $0xFFFF  }
0xbb: {  	p0 =	sne.s32 s0, $0x0;
	s0 =	rddreg [dreg:$0x2]  }
0xbc: {  	s0 =	sadd.s32 @!p0 $0x100000, s0  }
0xbd: {  	[sflag:s0] =	ssyncadd.tile.s32 @!p0 $0x1;
	_ =	shalt  }
.Lfunc_end2:
_tile_overlayer_lowered:
.L_overlay_start_2:
0xbe: {  	(tag) =	ssettag $0x2  }
0xbf: {  	s0 =	rddreg [dreg:$0x0];
	s2 =	stileid.u32  }
0xc0: {  	s1 =	rddreg [dreg:$0x1];
	p0 =	sne.s32 s2, $0x0  }
0xc1: {  	s3 =	rddreg [dreg:$0x2];
	[bflag:$0x3] =	sbarrier.arrive $0xFFFF;
	s2 =	simm.s32 @!p0 $0x1C0B  }
0xc2: {  	[timem:s3], [sflag:s2] =	dma.local @!p0 [hbm:s0], s1  }
0xc3: {  	s0 =	simm.s32 @!p0 $0xB  }
0xc4: {  	_ =	swait.ge @!p0 [sflag:s0], s1  }
0xc5: {  	s1 =	ssub.s32 @!p0 $0x0, s1;
	[sflag:s0] =	ssyncset.done @!p0 $0x0  }
0xc6: {  	[sflag:s0] =	ssyncadd.s32 @!p0 s1  }
0xc7: {  	[bflag:$0x3] =	sbarrier.arrive $0xFFFF  }
0xc8: {  	_ =	shalt  }

</sc_bundles>
